<compile_context>
chip_gen: v7x
topology: tpu7x:2x2x1
jax: 0.10.2.dev20260603
libtpu: 0.0.44.dev20260713+nightly
codegen_flags: <defaults>
</compile_context>

<pallas_src>
import functools

import jax
import jax.numpy as jnp
from jax import lax
from jax.experimental import pallas as pl
from jax.experimental.pallas import tpu as pltpu
from jax.experimental.pallas import tpu_sc as plsc

_B, _T, _V = 32, 64, 32000
_ALPHA = 1.0
_L = 16
_NC, _NS = 2, 16
_TPW = _T // _NS


def _log_poly(p):
    bits = lax.bitcast_convert_type(p, jnp.int32)
    e = (bits >> 23) - 126
    m = lax.bitcast_convert_type((bits & 0x007FFFFF) | 0x3F000000, jnp.float32)
    adj = m < 0.70710678
    e = e - jnp.where(adj, 1, 0)
    x = jnp.where(adj, m + m, m) - 1.0
    z = x * x
    y = 7.0376836292e-2
    for c in (-1.1514610310e-1, 1.1676998740e-1, -1.2420140846e-1,
              1.4249322787e-1, -1.6668057665e-1, 2.0000714765e-1,
              -2.4999993993e-1, 3.3333331174e-1):
        y = y * x + c
    y = y * x * z
    ef = e.astype(jnp.float32)
    y = y + ef * -2.12194440e-4
    y = y - 0.5 * z
    return x + y + ef * 0.693359375


def _sc_body(addr_hbm, probs_hbm, delta_hbm, out_hbm,
             idx_v, p_v, res_v, sh_v, delta_v, shared, sem, sem2):
    cid = lax.axis_index("c")
    sid = lax.axis_index("s")
    w = cid * _NS + sid

    @pl.when(sid == 0)
    def _prefetch():
        pltpu.async_copy(delta_hbm.at[pl.ds(cid * _L, _L)], delta_v, sem2)

    pltpu.sync_copy(addr_hbm.at[pl.ds(w * (_TPW * _L), _TPW * _L)], idx_v)
    pltpu.async_copy(probs_hbm.at[idx_v], p_v, sem).wait()
    acc = _log_poly(p_v[pl.ds(0, _L)])
    for j in range(1, _TPW):
        acc = acc + _log_poly(p_v[pl.ds(j * _L, _L)])
    lane = lax.iota(jnp.int32, _L)
    for k in (8, 4, 2, 1):
        acc = acc + acc.at[lane ^ k].get(mode="promise_in_bounds")
    res_v[...] = acc * (-_ALPHA / _T)
    pltpu.sync_copy(res_v, shared.at[pl.ds(sid * _L, _L)])
    plsc.subcore_barrier()

    @pl.when(sid == 0)
    def _finish():
        pltpu.sync_copy(shared, sh_v)
        totals = sh_v[pl.ds(0, _L)]
        for l in range(1, _NS):
            row = sh_v[pl.ds(l * _L, _L)]
            totals = jnp.where(lane == l, row, totals)
        pltpu.make_async_copy(delta_hbm.at[pl.ds(cid * _L, _L)], delta_v, sem2).wait()
        res_v[...] = totals * delta_v[...]
        pltpu.sync_copy(res_v, out_hbm.at[pl.ds(cid * _L, _L)])


_sc_loss = functools.partial(
    pl.kernel,
    mesh=plsc.VectorSubcoreMesh(core_axis_name="c", subcore_axis_name="s"),
    out_type=jax.ShapeDtypeStruct((_B,), jnp.float32),
    scratch_types=[
        pltpu.VMEM((_TPW * _L,), jnp.int32),
        pltpu.VMEM((_TPW * _L,), jnp.float32),
        pltpu.VMEM((_L,), jnp.float32),
        pltpu.VMEM((_NS * _L,), jnp.float32),
        pltpu.VMEM((_L,), jnp.float32),
        pltpu.VMEM_SHARED((_NS * _L,), jnp.float32),
        pltpu.SemaphoreType.DMA,
        pltpu.SemaphoreType.DMA,
    ],
)(_sc_body)


def kernel(chosen_tokens, probs, delta_rewards, time_step_mask):
    del time_step_mask
    ch = chosen_tokens.astype(jnp.int32)
    bg = jnp.arange(_B, dtype=jnp.int32)[:, None]
    tg = jnp.arange(_T, dtype=jnp.int32)[None, :]
    addr = (
        bg * (_T * _V)
        + (tg >> 3) * ((_V // 128) * 1024)
        + (ch >> 7) * 1024
        + (tg & 7) * 128
        + (ch & 127)
    )
    addr_flat = addr.reshape(-1)
    probs_flat = (
        probs.reshape(_B, _T // 8, 8, _V // 128, 128)
        .transpose(0, 1, 3, 2, 4)
        .reshape(-1)
    )
    return _sc_loss(addr_flat, probs_flat, delta_rewards)

# --- scband reference (transcript-rebuilt; emitter-appended) ---
"""Pipeline reference for scband-rlloss-46858093199369 (READ-ONLY COPY).

The authoritative reference and input builder live on the scoring server;
editing this copy changes nothing except your own understanding.
"""

import jax, jax.numpy as jnp
import numpy as np

B, T, V = 32, 64, 32000
ALPHA = 1.0

def setup_inputs(seed: int = 0) -> dict:
    key = jax.random.key(seed)
    k1, k2, k3 = jax.random.split(key, 3)
    chosen_tokens = jax.random.randint(k1, (B, T), 0, V)
    probs = jax.random.uniform(k2, (B, T, V), dtype=jnp.float32)
    delta_rewards = jax.random.normal(k3, (B,), dtype=jnp.float32)
    time_step_mask = jnp.ones((B, T), dtype=jnp.float32)
    return {
        "chosen_tokens": chosen_tokens,
        "probs": probs,
        "delta_rewards": delta_rewards,
        "time_step_mask": time_step_mask,
    }

def reference(chosen_tokens, probs, delta_rewards, time_step_mask):
    # gather_nd over (batch, time, chosen_token) == take_along_axis on vocab axis
    token_probs = jnp.take_along_axis(probs, chosen_tokens[..., None], axis=-1)[..., 0]
    loss = -jnp.log(token_probs) * time_step_mask
    loss = jnp.sum(loss, axis=1) * delta_rewards
    n_tokens = jnp.sum(time_step_mask, axis=1)
    mean_loss = loss / n_tokens * ALPHA
    return mean_loss

if __name__ == "__main__":
    import jax
    _d = setup_inputs()
    print(jax.jit(kernel)(*tuple(_d.values())))

</pallas_src>

<mosaic_0001>
#map = affine_map<(d0, d1) -> (0)>
module attributes {stable_mosaic.version = 14 : i64} {
  func.func @_sc_body(%arg0: i32, %arg1: i32, %arg2: memref<2048xi32, #tpu.memory_space<hbm>>, %arg3: memref<65536000xf32, #tpu.memory_space<hbm>>, %arg4: memref<32xf32, #tpu.memory_space<hbm>>, %arg5: memref<32xf32, #tpu.memory_space<hbm>>, %arg6: memref<64xi32, #tpu.memory_space<vmem>>, %arg7: memref<64xf32, #tpu.memory_space<vmem>>, %arg8: memref<16xf32, #tpu.memory_space<vmem>>, %arg9: memref<256xf32, #tpu.memory_space<vmem>>, %arg10: memref<16xf32, #tpu.memory_space<vmem>>, %arg11: memref<256xf32, #tpu.memory_space<vmem_shared>>, %arg12: memref<!tpu.dma_semaphore, #tpu.memory_space<semaphore_mem>>, %arg13: memref<!tpu.dma_semaphore, #tpu.memory_space<semaphore_mem>>) attributes {dimension_semantics = [#tpu.dimension_semantics<core_parallel>, #tpu.dimension_semantics<subcore_parallel>], iteration_bounds = array<i64: 2, 16>, scalar_prefetch = 0 : i64, scratch_operands = 8 : i64, tpu.core_type = #tpu.core_type<sc_vector_subcore>, window_params = [{transform_indices = #map}, {transform_indices = #map}, {transform_indices = #map}, {transform_indices = #map}]} {
    %mul3A = arith.constant 16 : i32
    %mul3A_0 = arith.muli %arg0, %mul3A : i32
    %add3A = arith.addi %mul3A_0, %arg1 : i32
    %eq3A = arith.constant 0 : i32
    %eq3A_1 = arith.cmpi eq, %arg1, %eq3A : i32
    %convert_element_type3A = arith.extui %eq3A_1 : i1 to i32
    %cond3A = arith.constant 0 : i32
    %cond3A_2 = arith.cmpi ne, %convert_element_type3A, %cond3A : i32
    scf.if %cond3A_2 {
      %mul3A_395 = arith.constant 16 : i32
      %mul3A_396 = arith.muli %arg0, %mul3A_395 : i32
      %dma_start3A_397 = tpu.memref_slice %arg4[%mul3A_396] : memref<32xf32, #tpu.memory_space<hbm>> -> memref<16xf32, #tpu.memory_space<hbm>>
      %dma_start3A_398 = tpu.memref_slice %arg4[%mul3A_396] : memref<32xf32, #tpu.memory_space<hbm>> -> memref<16xf32, #tpu.memory_space<hbm>>
      tpu.enqueue_dma source(%dma_start3A_398 : memref<16xf32, #tpu.memory_space<hbm>>) target(%arg10 : memref<16xf32, #tpu.memory_space<vmem>>) target_semaphore(%arg13 : memref<!tpu.dma_semaphore, #tpu.memory_space<semaphore_mem>>)
    } else {
    }
    %mul3A_3 = arith.constant 64 : i32
    %mul3A_4 = arith.muli %add3A, %mul3A_3 : i32
    "tpu.region"() ({
      %run_scoped3A = tpu.sem_alloc : memref<!tpu.dma_semaphore, #tpu.memory_space<semaphore_mem>>
      %dma_start3A_395 = tpu.memref_slice %arg2[%mul3A_4] : memref<2048xi32, #tpu.memory_space<hbm>> -> memref<64xi32, #tpu.memory_space<hbm>>
      %dma_start3A_396 = tpu.memref_slice %arg2[%mul3A_4] : memref<2048xi32, #tpu.memory_space<hbm>> -> memref<64xi32, #tpu.memory_space<hbm>>
      tpu.enqueue_dma source(%dma_start3A_396 : memref<64xi32, #tpu.memory_space<hbm>>) target(%arg6 : memref<64xi32, #tpu.memory_space<vmem>>) target_semaphore(%run_scoped3A : memref<!tpu.dma_semaphore, #tpu.memory_space<semaphore_mem>>)
      %dma_wait3A_397 = tpu.memref_slice %arg2[%mul3A_4] : memref<2048xi32, #tpu.memory_space<hbm>> -> memref<64xi32, #tpu.memory_space<hbm>>
      %dma_wait3A_398 = tpu.memref_slice %arg2[%mul3A_4] : memref<2048xi32, #tpu.memory_space<hbm>> -> memref<64xi32, #tpu.memory_space<hbm>>
      tpu.wait_dma2 semaphore(%run_scoped3A : memref<!tpu.dma_semaphore, #tpu.memory_space<semaphore_mem>>) src(%dma_wait3A_398 : memref<64xi32, #tpu.memory_space<hbm>>) dst(%arg6 : memref<64xi32, #tpu.memory_space<vmem>>)
      tpu.yield
    }) : () -> ()
    %dma_start3A = arith.constant 0 : i32
    %dma_start3A_5 = tpu.memref_slice %arg3[%dma_start3A] : memref<65536000xf32, #tpu.memory_space<hbm>> -> memref<65536000xf32, #tpu.memory_space<hbm>>
    tpu.enqueue_indirect_dma source(%dma_start3A_5 : memref<65536000xf32, #tpu.memory_space<hbm>>) target(%arg7 : memref<64xf32, #tpu.memory_space<vmem>>) offsets(%arg6 : memref<64xi32, #tpu.memory_space<vmem>>) semaphore(%arg12 : memref<!tpu.dma_semaphore, #tpu.memory_space<semaphore_mem>>)
    %dma_wait3A = arith.constant 0 : i32
    %dma_wait3A_6 = tpu.memref_slice %arg3[%dma_wait3A] : memref<65536000xf32, #tpu.memory_space<hbm>> -> memref<65536000xf32, #tpu.memory_space<hbm>>
    tpu.wait_indirect_dma semaphore(%arg12 : memref<!tpu.dma_semaphore, #tpu.memory_space<semaphore_mem>>) src(%dma_wait3A_6 : memref<65536000xf32, #tpu.memory_space<hbm>>) dst(%arg7 : memref<64xf32, #tpu.memory_space<vmem>>)
    %get3A = arith.constant 0 : index
    %get3A_7 = tpu.vector_load %arg7[%get3A] {strides = array<i32>} : memref<64xf32, #tpu.memory_space<vmem>>, vector<16xf32>,
    %get3A_8 = vector.shape_cast %get3A_7 : vector<16xf32> to vector<16xf32>
    %bitcast_convert_type3A = tpu.bitcast %get3A_8 : vector<16xf32> -> vector<16xi32>
    %shift_right_arithmetic3A = arith.constant 23 : i32
    %shift_right_arithmetic3A_9 = vector.broadcast %shift_right_arithmetic3A : i32 to vector<16xi32>
    %shift_right_arithmetic3A_10 = arith.shrsi %bitcast_convert_type3A, %shift_right_arithmetic3A_9 : vector<16xi32>
    %sub3A = arith.constant 126 : i32
    %sub3A_11 = vector.broadcast %sub3A : i32 to vector<16xi32>
    %sub3A_12 = arith.subi %shift_right_arithmetic3A_10, %sub3A_11 : vector<16xi32>
    %and3A = arith.constant 8388607 : i32
    %and3A_13 = vector.broadcast %and3A : i32 to vector<16xi32>
    %and3A_14 = arith.andi %bitcast_convert_type3A, %and3A_13 : vector<16xi32>
    %or3A = arith.constant 1056964608 : i32
    %or3A_15 = vector.broadcast %or3A : i32 to vector<16xi32>
    %or3A_16 = arith.ori %and3A_14, %or3A_15 : vector<16xi32>
    %bitcast_convert_type3A_17 = tpu.bitcast %or3A_16 : vector<16xi32> -> vector<16xf32>
    %lt3A = arith.constant 0.707106769 : f32
    %lt3A_18 = vector.broadcast %lt3A : f32 to vector<16xf32>
    %lt3A_19 = arith.cmpf olt, %bitcast_convert_type3A_17, %lt3A_18 : vector<16xf32>
    %jit3A = arith.constant 1 : i32
    %jit3A_20 = arith.constant 0 : i32
    %broadcast_in_dim3A = vector.broadcast %jit3A : i32 to vector<16xi32>
    %broadcast_in_dim3A_21 = vector.broadcast %jit3A_20 : i32 to vector<16xi32>
    %select_n3A = arith.select %lt3A_19, %broadcast_in_dim3A, %broadcast_in_dim3A_21 : vector<16xi1>, vector<16xi32>
    %sub3A_22 = arith.subi %sub3A_12, %select_n3A : vector<16xi32>
    %add3A_23 = arith.addf %bitcast_convert_type3A_17, %bitcast_convert_type3A_17 : vector<16xf32>
    %select_n3A_24 = arith.select %lt3A_19, %add3A_23, %bitcast_convert_type3A_17 : vector<16xi1>, vector<16xf32>
    %sub3A_25 = arith.constant 1.000000e+00 : f32
    %sub3A_26 = vector.broadcast %sub3A_25 : f32 to vector<16xf32>
    %sub3A_27 = arith.subf %select_n3A_24, %sub3A_26 : vector<16xf32>
    %mul3A_28 = arith.mulf %sub3A_27, %sub3A_27 : vector<16xf32>
    %mul3A_29 = arith.constant 0.0703768358 : f32
    %mul3A_30 = vector.broadcast %mul3A_29 : f32 to vector<16xf32>
    %mul3A_31 = arith.mulf %mul3A_30, %sub3A_27 : vector<16xf32>
    %add3A_32 = arith.constant -0.115146101 : f32
    %add3A_33 = vector.broadcast %add3A_32 : f32 to vector<16xf32>
    %add3A_34 = arith.addf %mul3A_31, %add3A_33 : vector<16xf32>
    %mul3A_35 = arith.mulf %add3A_34, %sub3A_27 : vector<16xf32>
    %add3A_36 = arith.constant 0.116769984 : f32
    %add3A_37 = vector.broadcast %add3A_36 : f32 to vector<16xf32>
    %add3A_38 = arith.addf %mul3A_35, %add3A_37 : vector<16xf32>
    %mul3A_39 = arith.mulf %add3A_38, %sub3A_27 : vector<16xf32>
    %add3A_40 = arith.constant -0.12420141 : f32
    %add3A_41 = vector.broadcast %add3A_40 : f32 to vector<16xf32>
    %add3A_42 = arith.addf %mul3A_39, %add3A_41 : vector<16xf32>
    %mul3A_43 = arith.mulf %add3A_42, %sub3A_27 : vector<16xf32>
    %add3A_44 = arith.constant 0.142493233 : f32
    %add3A_45 = vector.broadcast %add3A_44 : f32 to vector<16xf32>
    %add3A_46 = arith.addf %mul3A_43, %add3A_45 : vector<16xf32>
    %mul3A_47 = arith.mulf %add3A_46, %sub3A_27 : vector<16xf32>
    %add3A_48 = arith.constant -0.166680574 : f32
    %add3A_49 = vector.broadcast %add3A_48 : f32 to vector<16xf32>
    %add3A_50 = arith.addf %mul3A_47, %add3A_49 : vector<16xf32>
    %mul3A_51 = arith.mulf %add3A_50, %sub3A_27 : vector<16xf32>
    %add3A_52 = arith.constant 0.200007141 : f32
    %add3A_53 = vector.broadcast %add3A_52 : f32 to vector<16xf32>
    %add3A_54 = arith.addf %mul3A_51, %add3A_53 : vector<16xf32>
    %mul3A_55 = arith.mulf %add3A_54, %sub3A_27 : vector<16xf32>
    %add3A_56 = arith.constant -0.24999994 : f32
    %add3A_57 = vector.broadcast %add3A_56 : f32 to vector<16xf32>
    %add3A_58 = arith.addf %mul3A_55, %add3A_57 : vector<16xf32>
    %mul3A_59 = arith.mulf %add3A_58, %sub3A_27 : vector<16xf32>
    %add3A_60 = arith.constant 0.333333313 : f32
    %add3A_61 = vector.broadcast %add3A_60 : f32 to vector<16xf32>
    %add3A_62 = arith.addf %mul3A_59, %add3A_61 : vector<16xf32>
    %mul3A_63 = arith.mulf %add3A_62, %sub3A_27 : vector<16xf32>
    %mul3A_64 = arith.mulf %mul3A_63, %mul3A_28 : vector<16xf32>
    %convert_element_type3A_65 = arith.sitofp %sub3A_22 : vector<16xi32> to vector<16xf32>
    %mul3A_66 = arith.constant -2.12194442E-4 : f32
    %mul3A_67 = vector.broadcast %mul3A_66 : f32 to vector<16xf32>
    %mul3A_68 = arith.mulf %convert_element_type3A_65, %mul3A_67 : vector<16xf32>
    %add3A_69 = arith.addf %mul3A_64, %mul3A_68 : vector<16xf32>
    %mul3A_70 = arith.constant 5.000000e-01 : f32
    %mul3A_71 = vector.broadcast %mul3A_70 : f32 to vector<16xf32>
    %mul3A_72 = arith.mulf %mul3A_71, %mul3A_28 : vector<16xf32>
    %sub3A_73 = arith.subf %add3A_69, %mul3A_72 : vector<16xf32>
    %add3A_74 = arith.addf %sub3A_27, %sub3A_73 : vector<16xf32>
    %mul3A_75 = arith.constant 0.693359375 : f32
    %mul3A_76 = vector.broadcast %mul3A_75 : f32 to vector<16xf32>
    %mul3A_77 = arith.mulf %convert_element_type3A_65, %mul3A_76 : vector<16xf32>
    %add3A_78 = arith.addf %add3A_74, %mul3A_77 : vector<16xf32>
    %get3A_79 = arith.constant 16 : index
    %get3A_80 = tpu.vector_load %arg7[%get3A_79] {strides = array<i32>} : memref<64xf32, #tpu.memory_space<vmem>>, vector<16xf32>,
    %get3A_81 = vector.shape_cast %get3A_80 : vector<16xf32> to vector<16xf32>
    %bitcast_convert_type3A_82 = tpu.bitcast %get3A_81 : vector<16xf32> -> vector<16xi32>
    %shift_right_arithmetic3A_83 = arith.constant 23 : i32
    %shift_right_arithmetic3A_84 = vector.broadcast %shift_right_arithmetic3A_83 : i32 to vector<16xi32>
    %shift_right_arithmetic3A_85 = arith.shrsi %bitcast_convert_type3A_82, %shift_right_arithmetic3A_84 : vector<16xi32>
    %sub3A_86 = arith.constant 126 : i32
    %sub3A_87 = vector.broadcast %sub3A_86 : i32 to vector<16xi32>
    %sub3A_88 = arith.subi %shift_right_arithmetic3A_85, %sub3A_87 : vector<16xi32>
    %and3A_89 = arith.constant 8388607 : i32
    %and3A_90 = vector.broadcast %and3A_89 : i32 to vector<16xi32>
    %and3A_91 = arith.andi %bitcast_convert_type3A_82, %and3A_90 : vector<16xi32>
    %or3A_92 = arith.constant 1056964608 : i32
    %or3A_93 = vector.broadcast %or3A_92 : i32 to vector<16xi32>
    %or3A_94 = arith.ori %and3A_91, %or3A_93 : vector<16xi32>
    %bitcast_convert_type3A_95 = tpu.bitcast %or3A_94 : vector<16xi32> -> vector<16xf32>
    %lt3A_96 = arith.constant 0.707106769 : f32
    %lt3A_97 = vector.broadcast %lt3A_96 : f32 to vector<16xf32>
    %lt3A_98 = arith.cmpf olt, %bitcast_convert_type3A_95, %lt3A_97 : vector<16xf32>
    %jit3A_99 = arith.constant 1 : i32
    %jit3A_100 = arith.constant 0 : i32
    %broadcast_in_dim3A_101 = vector.broadcast %jit3A_99 : i32 to vector<16xi32>
    %broadcast_in_dim3A_102 = vector.broadcast %jit3A_100 : i32 to vector<16xi32>
    %select_n3A_103 = arith.select %lt3A_98, %broadcast_in_dim3A_101, %broadcast_in_dim3A_102 : vector<16xi1>, vector<16xi32>
    %sub3A_104 = arith.subi %sub3A_88, %select_n3A_103 : vector<16xi32>
    %add3A_105 = arith.addf %bitcast_convert_type3A_95, %bitcast_convert_type3A_95 : vector<16xf32>
    %select_n3A_106 = arith.select %lt3A_98, %add3A_105, %bitcast_convert_type3A_95 : vector<16xi1>, vector<16xf32>
    %sub3A_107 = arith.constant 1.000000e+00 : f32
    %sub3A_108 = vector.broadcast %sub3A_107 : f32 to vector<16xf32>
    %sub3A_109 = arith.subf %select_n3A_106, %sub3A_108 : vector<16xf32>
    %mul3A_110 = arith.mulf %sub3A_109, %sub3A_109 : vector<16xf32>
    %mul3A_111 = arith.constant 0.0703768358 : f32
    %mul3A_112 = vector.broadcast %mul3A_111 : f32 to vector<16xf32>
    %mul3A_113 = arith.mulf %mul3A_112, %sub3A_109 : vector<16xf32>
    %add3A_114 = arith.constant -0.115146101 : f32
    %add3A_115 = vector.broadcast %add3A_114 : f32 to vector<16xf32>
    %add3A_116 = arith.addf %mul3A_113, %add3A_115 : vector<16xf32>
    %mul3A_117 = arith.mulf %add3A_116, %sub3A_109 : vector<16xf32>
    %add3A_118 = arith.constant 0.116769984 : f32
    %add3A_119 = vector.broadcast %add3A_118 : f32 to vector<16xf32>
    %add3A_120 = arith.addf %mul3A_117, %add3A_119 : vector<16xf32>
    %mul3A_121 = arith.mulf %add3A_120, %sub3A_109 : vector<16xf32>
    %add3A_122 = arith.constant -0.12420141 : f32
    %add3A_123 = vector.broadcast %add3A_122 : f32 to vector<16xf32>
    %add3A_124 = arith.addf %mul3A_121, %add3A_123 : vector<16xf32>
    %mul3A_125 = arith.mulf %add3A_124, %sub3A_109 : vector<16xf32>
    %add3A_126 = arith.constant 0.142493233 : f32
    %add3A_127 = vector.broadcast %add3A_126 : f32 to vector<16xf32>
    %add3A_128 = arith.addf %mul3A_125, %add3A_127 : vector<16xf32>
    %mul3A_129 = arith.mulf %add3A_128, %sub3A_109 : vector<16xf32>
    %add3A_130 = arith.constant -0.166680574 : f32
    %add3A_131 = vector.broadcast %add3A_130 : f32 to vector<16xf32>
    %add3A_132 = arith.addf %mul3A_129, %add3A_131 : vector<16xf32>
    %mul3A_133 = arith.mulf %add3A_132, %sub3A_109 : vector<16xf32>
    %add3A_134 = arith.constant 0.200007141 : f32
    %add3A_135 = vector.broadcast %add3A_134 : f32 to vector<16xf32>
    %add3A_136 = arith.addf %mul3A_133, %add3A_135 : vector<16xf32>
    %mul3A_137 = arith.mulf %add3A_136, %sub3A_109 : vector<16xf32>
    %add3A_138 = arith.constant -0.24999994 : f32
    %add3A_139 = vector.broadcast %add3A_138 : f32 to vector<16xf32>
    %add3A_140 = arith.addf %mul3A_137, %add3A_139 : vector<16xf32>
    %mul3A_141 = arith.mulf %add3A_140, %sub3A_109 : vector<16xf32>
    %add3A_142 = arith.constant 0.333333313 : f32
    %add3A_143 = vector.broadcast %add3A_142 : f32 to vector<16xf32>
    %add3A_144 = arith.addf %mul3A_141, %add3A_143 : vector<16xf32>
    %mul3A_145 = arith.mulf %add3A_144, %sub3A_109 : vector<16xf32>
    %mul3A_146 = arith.mulf %mul3A_145, %mul3A_110 : vector<16xf32>
    %convert_element_type3A_147 = arith.sitofp %sub3A_104 : vector<16xi32> to vector<16xf32>
    %mul3A_148 = arith.constant -2.12194442E-4 : f32
    %mul3A_149 = vector.broadcast %mul3A_148 : f32 to vector<16xf32>
    %mul3A_150 = arith.mulf %convert_element_type3A_147, %mul3A_149 : vector<16xf32>
    %add3A_151 = arith.addf %mul3A_146, %mul3A_150 : vector<16xf32>
    %mul3A_152 = arith.constant 5.000000e-01 : f32
    %mul3A_153 = vector.broadcast %mul3A_152 : f32 to vector<16xf32>
    %mul3A_154 = arith.mulf %mul3A_153, %mul3A_110 : vector<16xf32>
    %sub3A_155 = arith.subf %add3A_151, %mul3A_154 : vector<16xf32>
    %add3A_156 = arith.addf %sub3A_109, %sub3A_155 : vector<16xf32>
    %mul3A_157 = arith.constant 0.693359375 : f32
    %mul3A_158 = vector.broadcast %mul3A_157 : f32 to vector<16xf32>
    %mul3A_159 = arith.mulf %convert_element_type3A_147, %mul3A_158 : vector<16xf32>
    %add3A_160 = arith.addf %add3A_156, %mul3A_159 : vector<16xf32>
    %add3A_161 = arith.addf %add3A_78, %add3A_160 : vector<16xf32>
    %get3A_162 = arith.constant 32 : index
    %get3A_163 = tpu.vector_load %arg7[%get3A_162] {strides = array<i32>} : memref<64xf32, #tpu.memory_space<vmem>>, vector<16xf32>,
    %get3A_164 = vector.shape_cast %get3A_163 : vector<16xf32> to vector<16xf32>
    %bitcast_convert_type3A_165 = tpu.bitcast %get3A_164 : vector<16xf32> -> vector<16xi32>
    %shift_right_arithmetic3A_166 = arith.constant 23 : i32
    %shift_right_arithmetic3A_167 = vector.broadcast %shift_right_arithmetic3A_166 : i32 to vector<16xi32>
    %shift_right_arithmetic3A_168 = arith.shrsi %bitcast_convert_type3A_165, %shift_right_arithmetic3A_167 : vector<16xi32>
    %sub3A_169 = arith.constant 126 : i32
    %sub3A_170 = vector.broadcast %sub3A_169 : i32 to vector<16xi32>
    %sub3A_171 = arith.subi %shift_right_arithmetic3A_168, %sub3A_170 : vector<16xi32>
    %and3A_172 = arith.constant 8388607 : i32
    %and3A_173 = vector.broadcast %and3A_172 : i32 to vector<16xi32>
    %and3A_174 = arith.andi %bitcast_convert_type3A_165, %and3A_173 : vector<16xi32>
    %or3A_175 = arith.constant 1056964608 : i32
    %or3A_176 = vector.broadcast %or3A_175 : i32 to vector<16xi32>
    %or3A_177 = arith.ori %and3A_174, %or3A_176 : vector<16xi32>
    %bitcast_convert_type3A_178 = tpu.bitcast %or3A_177 : vector<16xi32> -> vector<16xf32>
    %lt3A_179 = arith.constant 0.707106769 : f32
    %lt3A_180 = vector.broadcast %lt3A_179 : f32 to vector<16xf32>
    %lt3A_181 = arith.cmpf olt, %bitcast_convert_type3A_178, %lt3A_180 : vector<16xf32>
    %jit3A_182 = arith.constant 1 : i32
    %jit3A_183 = arith.constant 0 : i32
    %broadcast_in_dim3A_184 = vector.broadcast %jit3A_182 : i32 to vector<16xi32>
    %broadcast_in_dim3A_185 = vector.broadcast %jit3A_183 : i32 to vector<16xi32>
    %select_n3A_186 = arith.select %lt3A_181, %broadcast_in_dim3A_184, %broadcast_in_dim3A_185 : vector<16xi1>, vector<16xi32>
    %sub3A_187 = arith.subi %sub3A_171, %select_n3A_186 : vector<16xi32>
    %add3A_188 = arith.addf %bitcast_convert_type3A_178, %bitcast_convert_type3A_178 : vector<16xf32>
    %select_n3A_189 = arith.select %lt3A_181, %add3A_188, %bitcast_convert_type3A_178 : vector<16xi1>, vector<16xf32>
    %sub3A_190 = arith.constant 1.000000e+00 : f32
    %sub3A_191 = vector.broadcast %sub3A_190 : f32 to vector<16xf32>
    %sub3A_192 = arith.subf %select_n3A_189, %sub3A_191 : vector<16xf32>
    %mul3A_193 = arith.mulf %sub3A_192, %sub3A_192 : vector<16xf32>
    %mul3A_194 = arith.constant 0.0703768358 : f32
    %mul3A_195 = vector.broadcast %mul3A_194 : f32 to vector<16xf32>
    %mul3A_196 = arith.mulf %mul3A_195, %sub3A_192 : vector<16xf32>
    %add3A_197 = arith.constant -0.115146101 : f32
    %add3A_198 = vector.broadcast %add3A_197 : f32 to vector<16xf32>
    %add3A_199 = arith.addf %mul3A_196, %add3A_198 : vector<16xf32>
    %mul3A_200 = arith.mulf %add3A_199, %sub3A_192 : vector<16xf32>
    %add3A_201 = arith.constant 0.116769984 : f32
    %add3A_202 = vector.broadcast %add3A_201 : f32 to vector<16xf32>
    %add3A_203 = arith.addf %mul3A_200, %add3A_202 : vector<16xf32>
    %mul3A_204 = arith.mulf %add3A_203, %sub3A_192 : vector<16xf32>
    %add3A_205 = arith.constant -0.12420141 : f32
    %add3A_206 = vector.broadcast %add3A_205 : f32 to vector<16xf32>
    %add3A_207 = arith.addf %mul3A_204, %add3A_206 : vector<16xf32>
    %mul3A_208 = arith.mulf %add3A_207, %sub3A_192 : vector<16xf32>
    %add3A_209 = arith.constant 0.142493233 : f32
    %add3A_210 = vector.broadcast %add3A_209 : f32 to vector<16xf32>
    %add3A_211 = arith.addf %mul3A_208, %add3A_210 : vector<16xf32>
    %mul3A_212 = arith.mulf %add3A_211, %sub3A_192 : vector<16xf32>
    %add3A_213 = arith.constant -0.166680574 : f32
    %add3A_214 = vector.broadcast %add3A_213 : f32 to vector<16xf32>
    %add3A_215 = arith.addf %mul3A_212, %add3A_214 : vector<16xf32>
    %mul3A_216 = arith.mulf %add3A_215, %sub3A_192 : vector<16xf32>
    %add3A_217 = arith.constant 0.200007141 : f32
    %add3A_218 = vector.broadcast %add3A_217 : f32 to vector<16xf32>
    %add3A_219 = arith.addf %mul3A_216, %add3A_218 : vector<16xf32>
    %mul3A_220 = arith.mulf %add3A_219, %sub3A_192 : vector<16xf32>
    %add3A_221 = arith.constant -0.24999994 : f32
    %add3A_222 = vector.broadcast %add3A_221 : f32 to vector<16xf32>
    %add3A_223 = arith.addf %mul3A_220, %add3A_222 : vector<16xf32>
    %mul3A_224 = arith.mulf %add3A_223, %sub3A_192 : vector<16xf32>
    %add3A_225 = arith.constant 0.333333313 : f32
    %add3A_226 = vector.broadcast %add3A_225 : f32 to vector<16xf32>
    %add3A_227 = arith.addf %mul3A_224, %add3A_226 : vector<16xf32>
    %mul3A_228 = arith.mulf %add3A_227, %sub3A_192 : vector<16xf32>
    %mul3A_229 = arith.mulf %mul3A_228, %mul3A_193 : vector<16xf32>
    %convert_element_type3A_230 = arith.sitofp %sub3A_187 : vector<16xi32> to vector<16xf32>
    %mul3A_231 = arith.constant -2.12194442E-4 : f32
    %mul3A_232 = vector.broadcast %mul3A_231 : f32 to vector<16xf32>
    %mul3A_233 = arith.mulf %convert_element_type3A_230, %mul3A_232 : vector<16xf32>
    %add3A_234 = arith.addf %mul3A_229, %mul3A_233 : vector<16xf32>
    %mul3A_235 = arith.constant 5.000000e-01 : f32
    %mul3A_236 = vector.broadcast %mul3A_235 : f32 to vector<16xf32>
    %mul3A_237 = arith.mulf %mul3A_236, %mul3A_193 : vector<16xf32>
    %sub3A_238 = arith.subf %add3A_234, %mul3A_237 : vector<16xf32>
    %add3A_239 = arith.addf %sub3A_192, %sub3A_238 : vector<16xf32>
    %mul3A_240 = arith.constant 0.693359375 : f32
    %mul3A_241 = vector.broadcast %mul3A_240 : f32 to vector<16xf32>
    %mul3A_242 = arith.mulf %convert_element_type3A_230, %mul3A_241 : vector<16xf32>
    %add3A_243 = arith.addf %add3A_239, %mul3A_242 : vector<16xf32>
    %add3A_244 = arith.addf %add3A_161, %add3A_243 : vector<16xf32>
    %get3A_245 = arith.constant 48 : index
    %get3A_246 = tpu.vector_load %arg7[%get3A_245] {strides = array<i32>} : memref<64xf32, #tpu.memory_space<vmem>>, vector<16xf32>,
    %get3A_247 = vector.shape_cast %get3A_246 : vector<16xf32> to vector<16xf32>
    %bitcast_convert_type3A_248 = tpu.bitcast %get3A_247 : vector<16xf32> -> vector<16xi32>
    %shift_right_arithmetic3A_249 = arith.constant 23 : i32
    %shift_right_arithmetic3A_250 = vector.broadcast %shift_right_arithmetic3A_249 : i32 to vector<16xi32>
    %shift_right_arithmetic3A_251 = arith.shrsi %bitcast_convert_type3A_248, %shift_right_arithmetic3A_250 : vector<16xi32>
    %sub3A_252 = arith.constant 126 : i32
    %sub3A_253 = vector.broadcast %sub3A_252 : i32 to vector<16xi32>
    %sub3A_254 = arith.subi %shift_right_arithmetic3A_251, %sub3A_253 : vector<16xi32>
    %and3A_255 = arith.constant 8388607 : i32
    %and3A_256 = vector.broadcast %and3A_255 : i32 to vector<16xi32>
    %and3A_257 = arith.andi %bitcast_convert_type3A_248, %and3A_256 : vector<16xi32>
    %or3A_258 = arith.constant 1056964608 : i32
    %or3A_259 = vector.broadcast %or3A_258 : i32 to vector<16xi32>
    %or3A_260 = arith.ori %and3A_257, %or3A_259 : vector<16xi32>
    %bitcast_convert_type3A_261 = tpu.bitcast %or3A_260 : vector<16xi32> -> vector<16xf32>
    %lt3A_262 = arith.constant 0.707106769 : f32
    %lt3A_263 = vector.broadcast %lt3A_262 : f32 to vector<16xf32>
    %lt3A_264 = arith.cmpf olt, %bitcast_convert_type3A_261, %lt3A_263 : vector<16xf32>
    %jit3A_265 = arith.constant 1 : i32
    %jit3A_266 = arith.constant 0 : i32
    %broadcast_in_dim3A_267 = vector.broadcast %jit3A_265 : i32 to vector<16xi32>
    %broadcast_in_dim3A_268 = vector.broadcast %jit3A_266 : i32 to vector<16xi32>
    %select_n3A_269 = arith.select %lt3A_264, %broadcast_in_dim3A_267, %broadcast_in_dim3A_268 : vector<16xi1>, vector<16xi32>
    %sub3A_270 = arith.subi %sub3A_254, %select_n3A_269 : vector<16xi32>
    %add3A_271 = arith.addf %bitcast_convert_type3A_261, %bitcast_convert_type3A_261 : vector<16xf32>
    %select_n3A_272 = arith.select %lt3A_264, %add3A_271, %bitcast_convert_type3A_261 : vector<16xi1>, vector<16xf32>
    %sub3A_273 = arith.constant 1.000000e+00 : f32
    %sub3A_274 = vector.broadcast %sub3A_273 : f32 to vector<16xf32>
    %sub3A_275 = arith.subf %select_n3A_272, %sub3A_274 : vector<16xf32>
    %mul3A_276 = arith.mulf %sub3A_275, %sub3A_275 : vector<16xf32>
    %mul3A_277 = arith.constant 0.0703768358 : f32
    %mul3A_278 = vector.broadcast %mul3A_277 : f32 to vector<16xf32>
    %mul3A_279 = arith.mulf %mul3A_278, %sub3A_275 : vector<16xf32>
    %add3A_280 = arith.constant -0.115146101 : f32
    %add3A_281 = vector.broadcast %add3A_280 : f32 to vector<16xf32>
    %add3A_282 = arith.addf %mul3A_279, %add3A_281 : vector<16xf32>
    %mul3A_283 = arith.mulf %add3A_282, %sub3A_275 : vector<16xf32>
    %add3A_284 = arith.constant 0.116769984 : f32
    %add3A_285 = vector.broadcast %add3A_284 : f32 to vector<16xf32>
    %add3A_286 = arith.addf %mul3A_283, %add3A_285 : vector<16xf32>
    %mul3A_287 = arith.mulf %add3A_286, %sub3A_275 : vector<16xf32>
    %add3A_288 = arith.constant -0.12420141 : f32
    %add3A_289 = vector.broadcast %add3A_288 : f32 to vector<16xf32>
    %add3A_290 = arith.addf %mul3A_287, %add3A_289 : vector<16xf32>
    %mul3A_291 = arith.mulf %add3A_290, %sub3A_275 : vector<16xf32>
    %add3A_292 = arith.constant 0.142493233 : f32
    %add3A_293 = vector.broadcast %add3A_292 : f32 to vector<16xf32>
    %add3A_294 = arith.addf %mul3A_291, %add3A_293 : vector<16xf32>
    %mul3A_295 = arith.mulf %add3A_294, %sub3A_275 : vector<16xf32>
    %add3A_296 = arith.constant -0.166680574 : f32
    %add3A_297 = vector.broadcast %add3A_296 : f32 to vector<16xf32>
    %add3A_298 = arith.addf %mul3A_295, %add3A_297 : vector<16xf32>
    %mul3A_299 = arith.mulf %add3A_298, %sub3A_275 : vector<16xf32>
    %add3A_300 = arith.constant 0.200007141 : f32
    %add3A_301 = vector.broadcast %add3A_300 : f32 to vector<16xf32>
    %add3A_302 = arith.addf %mul3A_299, %add3A_301 : vector<16xf32>
    %mul3A_303 = arith.mulf %add3A_302, %sub3A_275 : vector<16xf32>
    %add3A_304 = arith.constant -0.24999994 : f32
    %add3A_305 = vector.broadcast %add3A_304 : f32 to vector<16xf32>
    %add3A_306 = arith.addf %mul3A_303, %add3A_305 : vector<16xf32>
    %mul3A_307 = arith.mulf %add3A_306, %sub3A_275 : vector<16xf32>
    %add3A_308 = arith.constant 0.333333313 : f32
    %add3A_309 = vector.broadcast %add3A_308 : f32 to vector<16xf32>
    %add3A_310 = arith.addf %mul3A_307, %add3A_309 : vector<16xf32>
    %mul3A_311 = arith.mulf %add3A_310, %sub3A_275 : vector<16xf32>
    %mul3A_312 = arith.mulf %mul3A_311, %mul3A_276 : vector<16xf32>
    %convert_element_type3A_313 = arith.sitofp %sub3A_270 : vector<16xi32> to vector<16xf32>
    %mul3A_314 = arith.constant -2.12194442E-4 : f32
    %mul3A_315 = vector.broadcast %mul3A_314 : f32 to vector<16xf32>
    %mul3A_316 = arith.mulf %convert_element_type3A_313, %mul3A_315 : vector<16xf32>
    %add3A_317 = arith.addf %mul3A_312, %mul3A_316 : vector<16xf32>
    %mul3A_318 = arith.constant 5.000000e-01 : f32
    %mul3A_319 = vector.broadcast %mul3A_318 : f32 to vector<16xf32>
    %mul3A_320 = arith.mulf %mul3A_319, %mul3A_276 : vector<16xf32>
    %sub3A_321 = arith.subf %add3A_317, %mul3A_320 : vector<16xf32>
    %add3A_322 = arith.addf %sub3A_275, %sub3A_321 : vector<16xf32>
    %mul3A_323 = arith.constant 0.693359375 : f32
    %mul3A_324 = vector.broadcast %mul3A_323 : f32 to vector<16xf32>
    %mul3A_325 = arith.mulf %convert_element_type3A_313, %mul3A_324 : vector<16xf32>
    %add3A_326 = arith.addf %add3A_322, %mul3A_325 : vector<16xf32>
    %add3A_327 = arith.addf %add3A_244, %add3A_326 : vector<16xf32>
    %iota3A = tpu.iota {dimensions = array<i32: 0>} : vector<16xi32>
    %xor3A = arith.constant 8 : i32
    %xor3A_328 = vector.broadcast %xor3A : i32 to vector<16xi32>
    %xor3A_329 = arith.xori %iota3A, %xor3A_328 : vector<16xi32>
    %lt3A_330 = arith.constant 0 : i32
    %lt3A_331 = vector.broadcast %lt3A_330 : i32 to vector<16xi32>
    %lt3A_332 = arith.cmpi slt, %xor3A_329, %lt3A_331 : vector<16xi32>
    %add3A_333 = arith.constant 16 : i32
    %add3A_334 = vector.broadcast %add3A_333 : i32 to vector<16xi32>
    %add3A_335 = arith.addi %xor3A_329, %add3A_334 : vector<16xi32>
    %select_n3A_336 = arith.select %lt3A_332, %add3A_335, %xor3A_329 : vector<16xi1>, vector<16xi32>
    %broadcast_in_dim3A_337 = vector.shape_cast %select_n3A_336 : vector<16xi32> to vector<16x1xi32>
    %gather3A = vector.shape_cast %broadcast_in_dim3A_337 : vector<16x1xi32> to vector<16xi32>
    %gather3A_338 = tpu.dynamic_gather %add3A_327[%gather3A] in [0] : vector<16xf32>, vector<16xi32> -> vector<16xf32>
    %add3A_339 = arith.addf %add3A_327, %gather3A_338 : vector<16xf32>
    %xor3A_340 = arith.constant 4 : i32
    %xor3A_341 = vector.broadcast %xor3A_340 : i32 to vector<16xi32>
    %xor3A_342 = arith.xori %iota3A, %xor3A_341 : vector<16xi32>
    %lt3A_343 = arith.constant 0 : i32
    %lt3A_344 = vector.broadcast %lt3A_343 : i32 to vector<16xi32>
    %lt3A_345 = arith.cmpi slt, %xor3A_342, %lt3A_344 : vector<16xi32>
    %add3A_346 = arith.constant 16 : i32
    %add3A_347 = vector.broadcast %add3A_346 : i32 to vector<16xi32>
    %add3A_348 = arith.addi %xor3A_342, %add3A_347 : vector<16xi32>
    %select_n3A_349 = arith.select %lt3A_345, %add3A_348, %xor3A_342 : vector<16xi1>, vector<16xi32>
    %broadcast_in_dim3A_350 = vector.shape_cast %select_n3A_349 : vector<16xi32> to vector<16x1xi32>
    %gather3A_351 = vector.shape_cast %broadcast_in_dim3A_350 : vector<16x1xi32> to vector<16xi32>
    %gather3A_352 = tpu.dynamic_gather %add3A_339[%gather3A_351] in [0] : vector<16xf32>, vector<16xi32> -> vector<16xf32>
    %add3A_353 = arith.addf %add3A_339, %gather3A_352 : vector<16xf32>
    %xor3A_354 = arith.constant 2 : i32
    %xor3A_355 = vector.broadcast %xor3A_354 : i32 to vector<16xi32>
    %xor3A_356 = arith.xori %iota3A, %xor3A_355 : vector<16xi32>
    %lt3A_357 = arith.constant 0 : i32
    %lt3A_358 = vector.broadcast %lt3A_357 : i32 to vector<16xi32>
    %lt3A_359 = arith.cmpi slt, %xor3A_356, %lt3A_358 : vector<16xi32>
    %add3A_360 = arith.constant 16 : i32
    %add3A_361 = vector.broadcast %add3A_360 : i32 to vector<16xi32>
    %add3A_362 = arith.addi %xor3A_356, %add3A_361 : vector<16xi32>
    %select_n3A_363 = arith.select %lt3A_359, %add3A_362, %xor3A_356 : vector<16xi1>, vector<16xi32>
    %broadcast_in_dim3A_364 = vector.shape_cast %select_n3A_363 : vector<16xi32> to vector<16x1xi32>
    %gather3A_365 = vector.shape_cast %broadcast_in_dim3A_364 : vector<16x1xi32> to vector<16xi32>
    %gather3A_366 = tpu.dynamic_gather %add3A_353[%gather3A_365] in [0] : vector<16xf32>, vector<16xi32> -> vector<16xf32>
    %add3A_367 = arith.addf %add3A_353, %gather3A_366 : vector<16xf32>
    %xor3A_368 = arith.constant 1 : i32
    %xor3A_369 = vector.broadcast %xor3A_368 : i32 to vector<16xi32>
    %xor3A_370 = arith.xori %iota3A, %xor3A_369 : vector<16xi32>
    %lt3A_371 = arith.constant 0 : i32
    %lt3A_372 = vector.broadcast %lt3A_371 : i32 to vector<16xi32>
    %lt3A_373 = arith.cmpi slt, %xor3A_370, %lt3A_372 : vector<16xi32>
    %add3A_374 = arith.constant 16 : i32
    %add3A_375 = vector.broadcast %add3A_374 : i32 to vector<16xi32>
    %add3A_376 = arith.addi %xor3A_370, %add3A_375 : vector<16xi32>
    %select_n3A_377 = arith.select %lt3A_373, %add3A_376, %xor3A_370 : vector<16xi1>, vector<16xi32>
    %broadcast_in_dim3A_378 = vector.shape_cast %select_n3A_377 : vector<16xi32> to vector<16x1xi32>
    %gather3A_379 = vector.shape_cast %broadcast_in_dim3A_378 : vector<16x1xi32> to vector<16xi32>
    %gather3A_380 = tpu.dynamic_gather %add3A_367[%gather3A_379] in [0] : vector<16xf32>, vector<16xi32> -> vector<16xf32>
    %add3A_381 = arith.addf %add3A_367, %gather3A_380 : vector<16xf32>
    %mul3A_382 = arith.constant -1.562500e-02 : f32
    %mul3A_383 = vector.broadcast %mul3A_382 : f32 to vector<16xf32>
    %mul3A_384 = arith.mulf %add3A_381, %mul3A_383 : vector<16xf32>
    %swap3A = arith.constant 0 : index
    %swap3A_385 = tpu.vector_load %arg8[%swap3A] {strides = array<i32>} : memref<16xf32, #tpu.memory_space<vmem>>, vector<16xf32>,
    %swap3A_386 = vector.shape_cast %swap3A_385 : vector<16xf32> to vector<16xf32>
    %swap3A_387 = vector.shape_cast %mul3A_384 : vector<16xf32> to vector<16xf32>
    tpu.vector_store %arg8[%swap3A], %swap3A_387 {strides = array<i32>} : memref<16xf32, #tpu.memory_space<vmem>>, vector<16xf32>,
    %mul3A_388 = arith.constant 16 : i32
    %mul3A_389 = arith.muli %arg1, %mul3A_388 : i32
    "tpu.region"() ({
      %run_scoped3A = tpu.sem_alloc : memref<!tpu.dma_semaphore, #tpu.memory_space<semaphore_mem>>
      %dma_start3A_395 = tpu.memref_slice %arg11[%mul3A_389] : memref<256xf32, #tpu.memory_space<vmem_shared>> -> memref<16xf32, #tpu.memory_space<vmem_shared>>
      %dma_start3A_396 = tpu.memref_slice %arg11[%mul3A_389] : memref<256xf32, #tpu.memory_space<vmem_shared>> -> memref<16xf32, #tpu.memory_space<vmem_shared>>
      tpu.enqueue_dma source(%arg8 : memref<16xf32, #tpu.memory_space<vmem>>) target(%dma_start3A_396 : memref<16xf32, #tpu.memory_space<vmem_shared>>) target_semaphore(%run_scoped3A : memref<!tpu.dma_semaphore, #tpu.memory_space<semaphore_mem>>)
      %dma_wait3A_397 = tpu.memref_slice %arg11[%mul3A_389] : memref<256xf32, #tpu.memory_space<vmem_shared>> -> memref<16xf32, #tpu.memory_space<vmem_shared>>
      %dma_wait3A_398 = tpu.memref_slice %arg11[%mul3A_389] : memref<256xf32, #tpu.memory_space<vmem_shared>> -> memref<16xf32, #tpu.memory_space<vmem_shared>>
      tpu.wait_dma2 semaphore(%run_scoped3A : memref<!tpu.dma_semaphore, #tpu.memory_space<semaphore_mem>>) src(%arg8 : memref<16xf32, #tpu.memory_space<vmem>>) dst(%dma_wait3A_398 : memref<16xf32, #tpu.memory_space<vmem_shared>>)
      tpu.yield
    }) : () -> ()
    %barrier3A = arith.constant 0 : index
    tpu.barrier barrier_id(%barrier3A)
    %eq3A_390 = arith.constant 0 : i32
    %eq3A_391 = arith.cmpi eq, %arg1, %eq3A_390 : i32
    %convert_element_type3A_392 = arith.extui %eq3A_391 : i1 to i32
    %cond3A_393 = arith.constant 0 : i32
    %cond3A_394 = arith.cmpi ne, %convert_element_type3A_392, %cond3A_393 : i32
    scf.if %cond3A_394 {
      "tpu.region"() ({
        %run_scoped3A = tpu.sem_alloc : memref<!tpu.dma_semaphore, #tpu.memory_space<semaphore_mem>>
        tpu.enqueue_dma source(%arg11 : memref<256xf32, #tpu.memory_space<vmem_shared>>) target(%arg9 : memref<256xf32, #tpu.memory_space<vmem>>) target_semaphore(%run_scoped3A : memref<!tpu.dma_semaphore, #tpu.memory_space<semaphore_mem>>)
        tpu.wait_dma2 semaphore(%run_scoped3A : memref<!tpu.dma_semaphore, #tpu.memory_space<semaphore_mem>>) src(%arg11 : memref<256xf32, #tpu.memory_space<vmem_shared>>) dst(%arg9 : memref<256xf32, #tpu.memory_space<vmem>>)
        tpu.yield
      }) : () -> ()
      %get3A_395 = arith.constant 0 : index
      %get3A_396 = tpu.vector_load %arg9[%get3A_395] {strides = array<i32>} : memref<256xf32, #tpu.memory_space<vmem>>, vector<16xf32>,
      %get3A_397 = vector.shape_cast %get3A_396 : vector<16xf32> to vector<16xf32>
      %get3A_398 = arith.constant 16 : index
      %get3A_399 = tpu.vector_load %arg9[%get3A_398] {strides = array<i32>} : memref<256xf32, #tpu.memory_space<vmem>>, vector<16xf32>,
      %get3A_400 = vector.shape_cast %get3A_399 : vector<16xf32> to vector<16xf32>
      %eq3A_401 = arith.constant 1 : i32
      %eq3A_402 = vector.broadcast %eq3A_401 : i32 to vector<16xi32>
      %eq3A_403 = arith.cmpi eq, %iota3A, %eq3A_402 : vector<16xi32>
      %select_n3A_404 = arith.select %eq3A_403, %get3A_400, %get3A_397 : vector<16xi1>, vector<16xf32>
      %get3A_405 = arith.constant 32 : index
      %get3A_406 = tpu.vector_load %arg9[%get3A_405] {strides = array<i32>} : memref<256xf32, #tpu.memory_space<vmem>>, vector<16xf32>,
      %get3A_407 = vector.shape_cast %get3A_406 : vector<16xf32> to vector<16xf32>
      %eq3A_408 = arith.constant 2 : i32
      %eq3A_409 = vector.broadcast %eq3A_408 : i32 to vector<16xi32>
      %eq3A_410 = arith.cmpi eq, %iota3A, %eq3A_409 : vector<16xi32>
      %select_n3A_411 = arith.select %eq3A_410, %get3A_407, %select_n3A_404 : vector<16xi1>, vector<16xf32>
      %get3A_412 = arith.constant 48 : index
      %get3A_413 = tpu.vector_load %arg9[%get3A_412] {strides = array<i32>} : memref<256xf32, #tpu.memory_space<vmem>>, vector<16xf32>,
      %get3A_414 = vector.shape_cast %get3A_413 : vector<16xf32> to vector<16xf32>
      %eq3A_415 = arith.constant 3 : i32
      %eq3A_416 = vector.broadcast %eq3A_415 : i32 to vector<16xi32>
      %eq3A_417 = arith.cmpi eq, %iota3A, %eq3A_416 : vector<16xi32>
      %select_n3A_418 = arith.select %eq3A_417, %get3A_414, %select_n3A_411 : vector<16xi1>, vector<16xf32>
      %get3A_419 = arith.constant 64 : index
      %get3A_420 = tpu.vector_load %arg9[%get3A_419] {strides = array<i32>} : memref<256xf32, #tpu.memory_space<vmem>>, vector<16xf32>,
      %get3A_421 = vector.shape_cast %get3A_420 : vector<16xf32> to vector<16xf32>
      %eq3A_422 = arith.constant 4 : i32
      %eq3A_423 = vector.broadcast %eq3A_422 : i32 to vector<16xi32>
      %eq3A_424 = arith.cmpi eq, %iota3A, %eq3A_423 : vector<16xi32>
      %select_n3A_425 = arith.select %eq3A_424, %get3A_421, %select_n3A_418 : vector<16xi1>, vector<16xf32>
      %get3A_426 = arith.constant 80 : index
      %get3A_427 = tpu.vector_load %arg9[%get3A_426] {strides = array<i32>} : memref<256xf32, #tpu.memory_space<vmem>>, vector<16xf32>,
      %get3A_428 = vector.shape_cast %get3A_427 : vector<16xf32> to vector<16xf32>
      %eq3A_429 = arith.constant 5 : i32
      %eq3A_430 = vector.broadcast %eq3A_429 : i32 to vector<16xi32>
      %eq3A_431 = arith.cmpi eq, %iota3A, %eq3A_430 : vector<16xi32>
      %select_n3A_432 = arith.select %eq3A_431, %get3A_428, %select_n3A_425 : vector<16xi1>, vector<16xf32>
      %get3A_433 = arith.constant 96 : index
      %get3A_434 = tpu.vector_load %arg9[%get3A_433] {strides = array<i32>} : memref<256xf32, #tpu.memory_space<vmem>>, vector<16xf32>,
      %get3A_435 = vector.shape_cast %get3A_434 : vector<16xf32> to vector<16xf32>
      %eq3A_436 = arith.constant 6 : i32
      %eq3A_437 = vector.broadcast %eq3A_436 : i32 to vector<16xi32>
      %eq3A_438 = arith.cmpi eq, %iota3A, %eq3A_437 : vector<16xi32>
      %select_n3A_439 = arith.select %eq3A_438, %get3A_435, %select_n3A_432 : vector<16xi1>, vector<16xf32>
      %get3A_440 = arith.constant 112 : index
      %get3A_441 = tpu.vector_load %arg9[%get3A_440] {strides = array<i32>} : memref<256xf32, #tpu.memory_space<vmem>>, vector<16xf32>,
      %get3A_442 = vector.shape_cast %get3A_441 : vector<16xf32> to vector<16xf32>
      %eq3A_443 = arith.constant 7 : i32
      %eq3A_444 = vector.broadcast %eq3A_443 : i32 to vector<16xi32>
      %eq3A_445 = arith.cmpi eq, %iota3A, %eq3A_444 : vector<16xi32>
      %select_n3A_446 = arith.select %eq3A_445, %get3A_442, %select_n3A_439 : vector<16xi1>, vector<16xf32>
      %get3A_447 = arith.constant 128 : index
      %get3A_448 = tpu.vector_load %arg9[%get3A_447] {strides = array<i32>} : memref<256xf32, #tpu.memory_space<vmem>>, vector<16xf32>,
      %get3A_449 = vector.shape_cast %get3A_448 : vector<16xf32> to vector<16xf32>
      %eq3A_450 = arith.constant 8 : i32
      %eq3A_451 = vector.broadcast %eq3A_450 : i32 to vector<16xi32>
      %eq3A_452 = arith.cmpi eq, %iota3A, %eq3A_451 : vector<16xi32>
      %select_n3A_453 = arith.select %eq3A_452, %get3A_449, %select_n3A_446 : vector<16xi1>, vector<16xf32>
      %get3A_454 = arith.constant 144 : index
      %get3A_455 = tpu.vector_load %arg9[%get3A_454] {strides = array<i32>} : memref<256xf32, #tpu.memory_space<vmem>>, vector<16xf32>,
      %get3A_456 = vector.shape_cast %get3A_455 : vector<16xf32> to vector<16xf32>
      %eq3A_457 = arith.constant 9 : i32
      %eq3A_458 = vector.broadcast %eq3A_457 : i32 to vector<16xi32>
      %eq3A_459 = arith.cmpi eq, %iota3A, %eq3A_458 : vector<16xi32>
      %select_n3A_460 = arith.select %eq3A_459, %get3A_456, %select_n3A_453 : vector<16xi1>, vector<16xf32>
      %get3A_461 = arith.constant 160 : index
      %get3A_462 = tpu.vector_load %arg9[%get3A_461] {strides = array<i32>} : memref<256xf32, #tpu.memory_space<vmem>>, vector<16xf32>,
      %get3A_463 = vector.shape_cast %get3A_462 : vector<16xf32> to vector<16xf32>
      %eq3A_464 = arith.constant 10 : i32
      %eq3A_465 = vector.broadcast %eq3A_464 : i32 to vector<16xi32>
      %eq3A_466 = arith.cmpi eq, %iota3A, %eq3A_465 : vector<16xi32>
      %select_n3A_467 = arith.select %eq3A_466, %get3A_463, %select_n3A_460 : vector<16xi1>, vector<16xf32>
      %get3A_468 = arith.constant 176 : index
      %get3A_469 = tpu.vector_load %arg9[%get3A_468] {strides = array<i32>} : memref<256xf32, #tpu.memory_space<vmem>>, vector<16xf32>,
      %get3A_470 = vector.shape_cast %get3A_469 : vector<16xf32> to vector<16xf32>
      %eq3A_471 = arith.constant 11 : i32
      %eq3A_472 = vector.broadcast %eq3A_471 : i32 to vector<16xi32>
      %eq3A_473 = arith.cmpi eq, %iota3A, %eq3A_472 : vector<16xi32>
      %select_n3A_474 = arith.select %eq3A_473, %get3A_470, %select_n3A_467 : vector<16xi1>, vector<16xf32>
      %get3A_475 = arith.constant 192 : index
      %get3A_476 = tpu.vector_load %arg9[%get3A_475] {strides = array<i32>} : memref<256xf32, #tpu.memory_space<vmem>>, vector<16xf32>,
      %get3A_477 = vector.shape_cast %get3A_476 : vector<16xf32> to vector<16xf32>
      %eq3A_478 = arith.constant 12 : i32
      %eq3A_479 = vector.broadcast %eq3A_478 : i32 to vector<16xi32>
      %eq3A_480 = arith.cmpi eq, %iota3A, %eq3A_479 : vector<16xi32>
      %select_n3A_481 = arith.select %eq3A_480, %get3A_477, %select_n3A_474 : vector<16xi1>, vector<16xf32>
      %get3A_482 = arith.constant 208 : index
      %get3A_483 = tpu.vector_load %arg9[%get3A_482] {strides = array<i32>} : memref<256xf32, #tpu.memory_space<vmem>>, vector<16xf32>,
      %get3A_484 = vector.shape_cast %get3A_483 : vector<16xf32> to vector<16xf32>
      %eq3A_485 = arith.constant 13 : i32
      %eq3A_486 = vector.broadcast %eq3A_485 : i32 to vector<16xi32>
      %eq3A_487 = arith.cmpi eq, %iota3A, %eq3A_486 : vector<16xi32>
      %select_n3A_488 = arith.select %eq3A_487, %get3A_484, %select_n3A_481 : vector<16xi1>, vector<16xf32>
      %get3A_489 = arith.constant 224 : index
      %get3A_490 = tpu.vector_load %arg9[%get3A_489] {strides = array<i32>} : memref<256xf32, #tpu.memory_space<vmem>>, vector<16xf32>,
      %get3A_491 = vector.shape_cast %get3A_490 : vector<16xf32> to vector<16xf32>
      %eq3A_492 = arith.constant 14 : i32
      %eq3A_493 = vector.broadcast %eq3A_492 : i32 to vector<16xi32>
      %eq3A_494 = arith.cmpi eq, %iota3A, %eq3A_493 : vector<16xi32>
      %select_n3A_495 = arith.select %eq3A_494, %get3A_491, %select_n3A_488 : vector<16xi1>, vector<16xf32>
      %get3A_496 = arith.constant 240 : index
      %get3A_497 = tpu.vector_load %arg9[%get3A_496] {strides = array<i32>} : memref<256xf32, #tpu.memory_space<vmem>>, vector<16xf32>,
      %get3A_498 = vector.shape_cast %get3A_497 : vector<16xf32> to vector<16xf32>
      %eq3A_499 = arith.constant 15 : i32
      %eq3A_500 = vector.broadcast %eq3A_499 : i32 to vector<16xi32>
      %eq3A_501 = arith.cmpi eq, %iota3A, %eq3A_500 : vector<16xi32>
      %select_n3A_502 = arith.select %eq3A_501, %get3A_498, %select_n3A_495 : vector<16xi1>, vector<16xf32>
      %mul3A_503 = arith.constant 16 : i32
      %mul3A_504 = arith.muli %arg0, %mul3A_503 : i32
      %dma_wait3A_505 = tpu.memref_slice %arg4[%mul3A_504] : memref<32xf32, #tpu.memory_space<hbm>> -> memref<16xf32, #tpu.memory_space<hbm>>
      %dma_wait3A_506 = tpu.memref_slice %arg4[%mul3A_504] : memref<32xf32, #tpu.memory_space<hbm>> -> memref<16xf32, #tpu.memory_space<hbm>>
      tpu.wait_dma2 semaphore(%arg13 : memref<!tpu.dma_semaphore, #tpu.memory_space<semaphore_mem>>) src(%dma_wait3A_506 : memref<16xf32, #tpu.memory_space<hbm>>) dst(%arg10 : memref<16xf32, #tpu.memory_space<vmem>>)
      %get3A_507 = arith.constant 0 : index
      %get3A_508 = tpu.vector_load %arg10[%get3A_507] {strides = array<i32>} : memref<16xf32, #tpu.memory_space<vmem>>, vector<16xf32>,
      %get3A_509 = vector.shape_cast %get3A_508 : vector<16xf32> to vector<16xf32>
      %mul3A_510 = arith.mulf %select_n3A_502, %get3A_509 : vector<16xf32>
      %swap3A_511 = arith.constant 0 : index
      %swap3A_512 = tpu.vector_load %arg8[%swap3A_511] {strides = array<i32>} : memref<16xf32, #tpu.memory_space<vmem>>, vector<16xf32>,
      %swap3A_513 = vector.shape_cast %swap3A_512 : vector<16xf32> to vector<16xf32>
      %swap3A_514 = vector.shape_cast %mul3A_510 : vector<16xf32> to vector<16xf32>
      tpu.vector_store %arg8[%swap3A_511], %swap3A_514 {strides = array<i32>} : memref<16xf32, #tpu.memory_space<vmem>>, vector<16xf32>,
      %mul3A_515 = arith.constant 16 : i32
      %mul3A_516 = arith.muli %arg0, %mul3A_515 : i32
      "tpu.region"() ({
        %run_scoped3A = tpu.sem_alloc : memref<!tpu.dma_semaphore, #tpu.memory_space<semaphore_mem>>
        %dma_start3A_517 = tpu.memref_slice %arg5[%mul3A_516] : memref<32xf32, #tpu.memory_space<hbm>> -> memref<16xf32, #tpu.memory_space<hbm>>
        %dma_start3A_518 = tpu.memref_slice %arg5[%mul3A_516] : memref<32xf32, #tpu.memory_space<hbm>> -> memref<16xf32, #tpu.memory_space<hbm>>
        tpu.enqueue_dma source(%arg8 : memref<16xf32, #tpu.memory_space<vmem>>) target(%dma_start3A_518 : memref<16xf32, #tpu.memory_space<hbm>>) target_semaphore(%run_scoped3A : memref<!tpu.dma_semaphore, #tpu.memory_space<semaphore_mem>>)
        %dma_wait3A_519 = tpu.memref_slice %arg5[%mul3A_516] : memref<32xf32, #tpu.memory_space<hbm>> -> memref<16xf32, #tpu.memory_space<hbm>>
        %dma_wait3A_520 = tpu.memref_slice %arg5[%mul3A_516] : memref<32xf32, #tpu.memory_space<hbm>> -> memref<16xf32, #tpu.memory_space<hbm>>
        tpu.wait_dma2 semaphore(%run_scoped3A : memref<!tpu.dma_semaphore, #tpu.memory_space<semaphore_mem>>) src(%arg8 : memref<16xf32, #tpu.memory_space<vmem>>) dst(%dma_wait3A_520 : memref<16xf32, #tpu.memory_space<hbm>>)
        tpu.yield
      }) : () -> ()
    } else {
    }
    return
  }
}

</mosaic_0001>

<sc_bundles>
// kernel: kernel.3.cloned.1.call-start
scs
__scs_entry_jumppad:
0x0: {  	(pc) =	sbr.rel $0x88, $3  }
0x1: {  	(tag) =	ssettag $0x0;
	lr =	simm.s32 $0x1  }
0x2: {  	[smem:$0x3F9E] =	sst lr;
	_ =	strace $0xD0000000  }
0x3: {  	_ = 	snop  }
0x4: {  	_ = 	snop  }
0x5: {  	_ = 	snop  }
0x6: {  	_ = 	snop  }
0x7: {  	_ = 	snop  }
__scs_overlays_trampoline_lowered:
0x8: {  	[smem:$0x3FAD] =	sst s0  }
0x9: {  	[smem:$0x3FAE] =	sst s1  }
0xa: {  	[smem:$0x3FAF] =	sst s2  }
0xb: {  	[smem:$0x3FB0] =	sst s3  }
0xc: {  	[smem:$0x3FB1] =	sst s4  }
0xd: {  	[smem:$0x3FB2] =	sst s5  }
0xe: {  	[smem:$0x3FB3] =	sst s6  }
0xf: {  	[smem:$0x3FB4] =	sst s7  }
0x10: {  	[smem:$0x3FB5] =	sst s8  }
0x11: {  	[smem:$0x3FB6] =	sst s9;
	s0 =	simm.s32 @!p0 $0x0  }
0x12: {  	s1 =	sld [smem:$0x3F9C];
	s0 =	simm.s32 @p0 $0x1  }
0x13: {  	[smem:$0x3FB7] =	sst s0;
	s0 =	simm.s32 @!p1 $0x0  }
0x14: {  	s2 =	sld [smem:$0x3F9B];
	s0 =	simm.s32 @p1 $0x1  }
0x15: {  	[smem:$0x3FB8] =	sst s0;
	s0 =	simm.s32 @!p2 $0x0  }
0x16: {  	s3 =	sld [smem:$0x3FDB];
	s0 =	simm.s32 @p2 $0x1  }
0x17: {  	s4 =	simm.s32 $0x1BF5;
	[smem:$0x3FBA] =	sst s0  }
0x18: {  	s0 =	sld [smem:$0x3F9D];
	_ =	swait.ge [sflag:s4], $0x0  }
0x19: {  	s7 =	sld [smem:$0x3F9E]  }
0x1a: {  	s8 =	sadd.s32 $0xFFFFE003, lr  }
0x1b: {  	s9 =	sadd.s32 $0xFFFFFEF7, lr;
	s5 =	simm.s32 $0xFFFFFFFF;
	p2 =	slt.u32 s8, $0xFFFFF086  }
0x1c: {  	p1 =	slt.u32 s9, $0xF7A;
	s5 =	simm.s32 @!p2 $0x0  }
0x1d: {  	s5 =	simm.s32 @p1 $0x1;
	p0 =	seq.s32 s7, s2  }
0x1e: {  	s7 =	smul.u32 @!p0 $0xF7A, s2;
	p2 =	seq.s32 @!p0 s5, $0x0  }
0x1f: {  	s9 =	smul.u32 $0xF7A, s1;
	s8 =	simm.s32 @!p0 $0x1BF5;
	p2 =	por !p2, p0  }
0x20: {  	[sflag:s8] =	ssyncset.s32 @!p0 $0xFFFFF086;
	s6 =	sadd.s32 @!p0 s3, s7;
	s7 =	simm.s32 @!p0 $0x108  }
0x21: {  	s3 =	sadd.s32 s3, s9;
	s6 =	sadd.s32 @!p0 $0x88, s6;
	s7 =	simm.s32 @p2 $0x1082  }
0x22: {  	[simem:s7], [sflag:s8] =	dma.local @!p0 [hbm:s6], $0xF7A  }
0x23: {  	s9 =	sor.u32 $0xD0000000, s2;
	s6 =	simm.s32 $0x108;
	_ =	swait.ge @!p0 [sflag:s8], $0x0  }
0x24: {  	s3 =	sadd.s32 $0x88, s3;
	s6 =	simm.s32 @!p1 $0x1082;
	[sflag:s4] =	ssyncset.s32 $0xFFFFF086  }
0x25: {  	[simem:s6], [sflag:s4] =	dma.local [hbm:s3], $0xF7A  }
0x26: {  	[smem:$0x3F9E] =	sst s1;
	(tag) =	ssettag s2;
	_ =	strace s9  }
0x27: {  	s1 =	sld [smem:$0x3FAE]  }
0x28: {  	s2 =	sld [smem:$0x3FAF]  }
0x29: {  	s4 =	sld [smem:$0x3FB1]  }
0x2a: {  	p0 =	seq.s32 s5, $0x0;
	s5 =	sld [smem:$0x3FB2]  }
0x2b: {  	s6 =	sld [smem:$0x3FB3]  }
0x2c: {  	s7 =	sld [smem:$0x3FB4]  }
0x2d: {  	s3 =	simm.s32 $0x108;
	s8 =	sld [smem:$0x3FB5]  }
0x2e: {  	s3 =	simm.s32 @!p0 $0x1082;
	s9 =	sld [smem:$0x3FB6]  }
0x2f: {  	lr =	sadd.s32 s0, s3;
	s0 =	sld [smem:$0x3FAD]  }
0x30: {  	s3 =	sld [smem:$0x3FB0]  }
0x31: {  	[smem:$0x3FB9] =	sst s10  }
0x32: {  	s10 =	sld [smem:$0x3FB7];
	_ =	sdelay $0x3  }
0x33: {  	p0 =	seq.s32 s10, $0x1;
	s10 =	sld [smem:$0x3FB9];
	_ =	sdelay $0x3  }
0x34: {  	[smem:$0x3FB9] =	sst s10  }
0x35: {  	s10 =	sld [smem:$0x3FB8];
	_ =	sdelay $0x3  }
0x36: {  	p1 =	seq.s32 s10, $0x1;
	s10 =	sld [smem:$0x3FB9];
	_ =	sdelay $0x3  }
0x37: {  	[smem:$0x3FB9] =	sst s10  }
0x38: {  	s10 =	sld [smem:$0x3FBA]  }
0x39: {  	_ = 	snop;
	(pc) =	sbr.ind lr, $3  }
0x3a: {  	_ = 	snop  }
0x3b: {  	_ = 	snop  }
0x3c: {  	p2 =	seq.s32 s10, $0x1;
	s10 =	sld [smem:$0x3FB9]  }
0x3d: {  	_ =	shalt  }
0x3e: {  	_ =	shalt  }
0x3f: {  	_ =	shalt  }
0x40: {  	_ =	shalt  }
0x41: {  	_ =	shalt  }
0x42: {  	_ =	shalt  }
0x43: {  	_ =	shalt  }
0x44: {  	_ =	shalt  }
0x45: {  	_ =	shalt  }
0x46: {  	_ =	shalt  }
0x47: {  	_ =	shalt  }
0x48: {  	_ =	shalt  }
0x49: {  	_ =	shalt  }
0x4a: {  	_ =	shalt  }
0x4b: {  	_ =	shalt  }
0x4c: {  	_ =	shalt  }
0x4d: {  	_ =	shalt  }
0x4e: {  	_ =	shalt  }
0x4f: {  	_ =	shalt  }
0x50: {  	_ =	shalt  }
0x51: {  	_ =	shalt  }
0x52: {  	_ =	shalt  }
0x53: {  	_ =	shalt  }
0x54: {  	_ =	shalt  }
0x55: {  	_ =	shalt  }
0x56: {  	_ =	shalt  }
0x57: {  	_ =	shalt  }
0x58: {  	_ =	shalt  }
0x59: {  	_ =	shalt  }
0x5a: {  	_ =	shalt  }
0x5b: {  	_ =	shalt  }
0x5c: {  	_ =	shalt  }
0x5d: {  	_ =	shalt  }
0x5e: {  	_ =	shalt  }
0x5f: {  	_ =	shalt  }
0x60: {  	_ =	shalt  }
0x61: {  	_ =	shalt  }
0x62: {  	_ =	shalt  }
0x63: {  	_ =	shalt  }
0x64: {  	_ =	shalt  }
0x65: {  	_ =	shalt  }
0x66: {  	_ =	shalt  }
0x67: {  	_ =	shalt  }
0x68: {  	_ =	shalt  }
0x69: {  	_ =	shalt  }
0x6a: {  	_ =	shalt  }
0x6b: {  	_ =	shalt  }
0x6c: {  	_ =	shalt  }
0x6d: {  	_ =	shalt  }
0x6e: {  	_ =	shalt  }
0x6f: {  	_ =	shalt  }
0x70: {  	_ =	shalt  }
0x71: {  	_ =	shalt  }
0x72: {  	_ =	shalt  }
0x73: {  	_ =	shalt  }
0x74: {  	_ =	shalt  }
0x75: {  	_ =	shalt  }
0x76: {  	_ =	shalt  }
0x77: {  	_ =	shalt  }
0x78: {  	_ =	shalt  }
0x79: {  	_ =	shalt  }
0x7a: {  	_ =	shalt  }
0x7b: {  	_ =	shalt  }
0x7c: {  	_ =	shalt  }
0x7d: {  	_ =	shalt  }
0x7e: {  	_ =	shalt  }
0x7f: {  	_ =	shalt  }
0x80: {  	_ =	shalt  }
0x81: {  	_ =	shalt  }
0x82: {  	_ =	shalt  }
0x83: {  	_ =	shalt  }
0x84: {  	_ =	shalt  }
0x85: {  	_ =	shalt  }
0x86: {  	_ =	shalt  }
0x87: {  	_ =	shalt  }
.Lfunc_end0:
.L_simem_size_0:
called_computation_lowered:
.L_overlay_start_0:
0x88: {  	s2 =	sld [smem:$0x3FD9]  }
0x89: {  	s3 =	sld [smem:$0x3FFE];
	_ =	sdelay $0x1  }
0x8a: {  	s1 =	srdreg.scid  }
0x8b: {  	s0 =	sand.u32 $0x1, s1  }
0x8c: {  	s17 =	sshll.u32 s0, $0xA;
	s2 =	sadd.s32 s3, s2  }
0x8d: {  	s2 =	sadd.s32 s2, s17  }
0x8e: {  	[smem:$0x3FC5] =	sst s2  }
0x8f: {  	_ = 	snop  }
0x90: {  	s2 =	sld [smem:$0x3FC8]  }
0x91: {  	s18 =	sld [smem:$0x3FC7]  }
0x92: {  	s4 =	sld [smem:$0x3FD0];
	(tm) =	ssettm $0x1  }
0x93: {  	s5 =	sld [smem:$0x3FFB];
	_ =	sdelay $0x3  }
0x94: {  	_ =	strace s5  }
0x95: {  	s5 =	sld [smem:$0x3FFC];
	_ =	sdelay $0x3  }
0x96: {  	_ =	strace s5  }
0x97: {  	s5 =	sld [smem:$0x3FFD];
	_ =	sdelay $0x3  }
0x98: {  	_ =	strace s5  }
0x99: {  	_ =	strace $0x8FFFFFFF  }
0x9a: {  	s19 =	sld [smem:$0x3FDB];
	_ =	sdelay $0x1  }
0x9b: {  	s6 =	simm.s32 $_scs_section_size  }
0x9c: {  	s7 =	simm.s32 $_size__tile_overlayer_lowered;
	s8 =	simm.s32 $_tile_overlayer_lowered  }
0x9d: {  	s22 =	simm.s32 $0x1BFF;
	s21 =	sshll.u32 s8, $0x1;
	s5 =	sadd.s32 s6, s19  }
0x9e: {  	s9 =	simm.s32 $0x0;
	s20 =	sshll.u32 s7, $0x1;
	s7 =	sadd.s32 s21, s5  }
0x9f: {  	[timem:s9], [sflag:s22] =	dma.local [hbm:s7], s20  }
0xa0: {  	_ =	swait.ge [sflag:s22], s20  }
0xa1: {  	s6 =	ssub.s32 $0x0, s20;
	[sflag:s22] =	ssyncset.done $0x0  }
0xa2: {  	[sflag:s22] =	ssyncadd.s32 s6;
	_ =	sdelay $0x1  }
0xa3: {  	s23 =	simm.s32 $0x1B8B  }
0xa4: {  	_ =	swait.ge [sflag:s23], $0x1  }
0xa5: {  	[sflag:s23] =	ssyncset.done $0x0  }
0xa6: {  	s25 =	simm.s32 $0x1B8E;
	s24 =	sld [smem:$0x3FFE];
	[sflag:s23] =	ssyncadd.s32 $0xFFFFFFFF  }
0xa7: {  	s26 =	simm.s32 $execute0_lowered;
	[smem:$0x3FD2] =	sst s25  }
0xa8: {  	s7 =	sshll.u32 s26, $0x1;
	_ =	strace $0x80000046;
	[dreg:$0x1] =	wrdreg $0xFFFFFFFF  }
0xa9: {  	s28 =	simm.s32 $_size_execute0_lowered;
	s5 =	sadd.s32 s5, s7;
	[dreg:$0x0] =	wrdreg $0x0  }
0xaa: {  	s7 =	sshll.u32 s28, $0x1;
	[dreg:$0x2] =	wrdreg s5  }
0xab: {  	[dreg:$0x3] =	wrdreg s7  }
0xac: {  	[dreg:$0x4] =	wrdreg $0xC0  }
0xad: {  	_ =	task [dreg:s9], $0x5FFFF  }
0xae: {  	[dreg:$0x1] =	wrdreg $0xFFFFFFFF  }
0xaf: {  	[dreg:$0x0] =	wrdreg $0x60  }
0xb0: {  	[dreg:$0x2] =	wrdreg s24  }
0xb1: {  	[dreg:$0x3] =	wrdreg s2  }
0xb2: {  	[dreg:$0x4] =	wrdreg s18  }
0xb3: {  	[dreg:$0x5] =	wrdreg s4  }
0xb4: {  	[dreg:$0x6] =	wrdreg $0x3000  }
0xb5: {  	[dreg:$0x7] =	wrdreg $0x9  }
0xb6: {  	_ =	task.clear_ibuf [dreg:s9], $0x8FFFF;
	_ =	strace $0x90000046  }
0xb7: {  	s29 =	simm.s32 $0x9;
	_ =	strace $0x80000048  }
0xb8: {  	_ =	swait.ge [sflag:s29], $0x1  }
0xb9: {  	[sflag:s29] =	ssyncadd.s32 $0xFFFFFFFF  }
0xba: {  	_ =	strace $0x90000048  }
0xbb: {  	_ =	sfence  }
0xbc: {  	s30 =	sld [smem:$0x0];
	_ =	sdelay $0x2  }
0xbd: {  	s31 =	sshll.u32 s1, $0xD;
	s1 =	sshrl.u32 s1, $0x2  }
0xbe: {  	s3 =	sand.u32 $0x4000, s31;
	s1 =	sadd.s32 s1, s30  }
0xbf: {  	s0 =	sor.u32 s3, s0;
	s1 =	sshll.u32 s1, $0x11  }
0xc0: {  	s0 =	sor.u32 s1, s0  }
0xc1: {  	s0 =	sadd.s32 $0x8F2B, s0  }
0xc2: {  	[sflag:s0] =	ssyncadd.remote.s32 $0x1  }
0xc3: {  	_ =	sfence.sel $0xFFFF  }
0xc4: {  	[dreg:$0x0] =	wrdreg $0xFFFFFFFF;
	(pc) =	sbr.abs _section_cstart, $3  }
0xc5: {  	[dreg:$0x1] =	wrdreg $0xFFFFFFFF  }
0xc6: {  	_ =	task.clear_ibuf [dreg:s9], $0x2FFFF;
	_ =	strace $0x9FFFFFFF  }
0xc7: {  	(tm) =	ssettm $0x7FFFFFFF  }
tec
execute0_lowered:
.L_overlay_start_1:
0x0: {  	(tag) =	ssettag $0x1  }
0x1: {  	v0 =	vimm.s32 $0xFEDCBA98;
	v1 =	vimm.s32 $0x76543210;
	v2 =	vimm.s32 $0xBA98FEDC  }
0x2: {  	v3 =	vimm.s32 $0x32107654;
	v4 =	vimm.s32 $0xDCFE98BA;
	v5 =	vimm.s32 $0x54761032  }
0x3: {  	s4 =	rddreg [dreg:$0x0];
	v6 =	vimm.s32 $0xEFCDAB89;
	v7 =	vimm.s32 $0x67452301;
	vm0 =	vmmov $0x1  }
0x4: {  	s0 =	rddreg [dreg:$0x1];
	vm3 =	vmmov $0xf;
	vm4 =	vmmov $0x1f;
	vm5 =	vmmov $0x3f  }
0x5: {  	s5 =	rddreg [dreg:$0x2];
	vm6 =	vmmov $0x7f;
	vm7 =	vmmov $0xff;
	v0 =	vunpack.c.l.s4.s8 v0  }
0x6: {  	s7 =	rddreg [dreg:$0x3];
	v1 =	vunpack.c.l.s4.s8 v1;
	v2 =	vunpack.c.l.s4.s8 v2;
	v3 =	vunpack.c.l.s4.s8 v3  }
0x7: {  	s2 =	rddreg [dreg:$0x4];
	v4 =	vunpack.c.l.s4.s8 v4;
	v5 =	vunpack.c.l.s4.s8 v5;
	v0 =	vunpack.c.0.s8.s32 v0  }
0x8: {  	s1 =	rddreg [dreg:$0x5];
	s6 =	srdreg.scid;
	v1 =	vunpack.c.0.s8.s32 v1;
	v2 =	vunpack.c.0.s8.s32 v2;
	v3 =	vunpack.c.0.s8.s32 v3  }
0x9: {  	s3 =	simm.s32 $0x0;
	s9 =	stileid.u32;
	s12 =	simm.s32 $0x1;
	v4 =	vunpack.c.0.s8.s32 v4;
	v5 =	vunpack.c.0.s8.s32 v5;
	v0 =	vand.u32 $0xF, v0  }
0xa: {  	vm8 =	vmmov $0x1ff;
	vm9 =	vmmov $0x3ff;
	s13 =	simm.s32 $0x100;
	s14 =	simm.s32 $0x180;
	s15 =	simm.s32 $0x2;
	v0 =	vcombine.low v0, v1  }
0xb: {  	s6 =	sand.u32 $0x1, s6;
	[smem:$0x7FF] =	sst s3;
	s8 =	sshll.u32 s9, $0x3;
	v1 =	vcombine.low v3, v2;
	v2 =	vcombine.low v5, v4;
	v5 =	vimm.s32 $0x0  }
0xc: {  	vm10 =	vmmov $0x7ff;
	v6 =	vunpack.c.l.s4.s8 v6;
	s31 =	sshll.u32 s9, $0x4;
	p0 =	sne.s32 s9, $0x0;
	s9 =	simm.s32 $0x3;
	v5 =	vsel vm0, $0xFFFFFFFF, v5  }
0xd: {  	v7 =	vunpack.c.l.s4.s8 v7;
	s10 =	ssub.s32 $0x2, s6;
	_ =	strace $0x80000047;
	s8 =	sadd.s32 s8, s4;
	vm0 =	vmmov $0x3;
	[tilespmem:$0x1FFD0] =	vst v5;
	v5 =	vimm.s32 $0x0  }
0xe: {  	vm11 =	vmmov $0xfff;
	s11 =	sshll.u32 s6, $0x1;
	s6 =	sshll.u32 s6, $0x7;
	v6 =	vunpack.c.0.s8.s32 v6;
	s29 =	sshrl.u32 s10, $0x1;
	v5 =	vsel vm0, $0xFFFFFFFF, v5  }
0xf: {  	v7 =	vunpack.c.0.s8.s32 v7;
	s4 =	sadd.s32 s5, s11;
	s30 =	sadd.s32 s6, s8;
	s6 =	sadd.s32 s31, s2;
	vm0 =	vmmov $0x7;
	[tilespmem:$0x1FFE0] =	vst v5;
	v5 =	vimm.s32 $0x0  }
0x10: {  	vm12 =	vmmov $0x1fff;
	vm13 =	vmmov $0x3fff;
	s7 =	sadd.s32 s7, s11;
	s11 =	simm.s32 $0x80;
	s10 =	ssub.s32 s10, s29;
	v5 =	vsel vm0, $0xFFFFFFFF, v5  }
0x11: {  	vm14 =	vmmov $0x7fff;
	s5 =	sadd.s32 $0x600, s30;
	s8 =	smax.u32 s10, $0x1;
	s10 =	simm.s32 $0x40;
	v3 =	vimm.s32 $0x0;
	v4 =	vcombine.low v7, v6;
	[tilespmem:$0x1FFF0] =	vst v5  }
.LBB2_1:
0x12: {  	s16 =	simm.s32 @!p0 $0x0;
	s17 =	simm.s32 @!p0 $0x280  }
0x13: {  	[tilespmem:s17], [sflag:$0x2] =	stream.linear.gather @!p0 [hbm4b:s4+s16], $0x10, $0x38;
	[tilespmem:$0x310] =	vst v63  }
0x14: {  	_ = 	snop  }
0x15: {  	[tilespmem:s3], [sflag:$0x3] =	stream.linear.gather [hbm4b:s5+s3], $0x40, $0x38;
	[tilespmem:$0x310] =	vst v63  }
0x16: {  	_ =	swait.ge [sflag:s9], $0x40  }
0x17: {  	[sflag:s9] =	ssyncset.done $0x0  }
0x18: {  	[sflag:s9] =	ssyncadd.s32 $0xFFFFFFC0  }
0x19: {  	[tilespmem:s11], [sflag:$0x1] =	stream.indirect.gather [hbm4b:s0+s10], $0x1, s3, s10, $0xb8;
	[tilespmem:$0x310] =	vst v63  }
0x1a: {  	_ =	swait.ge [sflag:s12], $0x40  }
0x1b: {  	[sflag:s12] =	ssyncset.done $0x0  }
0x1c: {  	[sflag:s12] =	ssyncadd.s32 $0xFFFFFFC0  }
0x1d: {  	v5 =	vld [tilespmem:$0x80];
	_ =	sdelay $0x1  }
0x1e: {  	v8 =	vld [tilespmem:$0x90]  }
0x1f: {  	v10 =	vld [tilespmem:$0xA0];
	_ =	sdelay $0x1  }
0x20: {  	v6 =	vand.u32 $0x7FFFFF, v5  }
0x21: {  	v6 =	vor.u32 $0x3F000000, v6  }
0x22: {  	v45 =	vld [tilespmem:$0xB0];
	v9 =	vand.u32 $0x7FFFFF, v8;
	vm2 =	vlt.f32 v6, $7.071067690e-01  }
0x23: {  	v12 =	vand.u32 $0x7FFFFF, v10;
	v9 =	vor.u32 $0x3F000000, v9;
	v7 =	vnsel vm2, $0x80000000, v6  }
0x24: {  	v12 =	vor.u32 $0x3F000000, v12;
	vm1 =	vlt.f32 v9, $7.071067690e-01;
	v6 =	vadd.f32 v6, v7  }
0x25: {  	vm0 =	vlt.f32 v12, $7.071067690e-01;
	v11 =	vnsel vm1, $0x80000000, v9  }
0x26: {  	v14 =	vnsel vm0, $0x80000000, v12;
	v9 =	vadd.f32 v9, v11;
	v6 =	vadd.f32 $-1.000000000e+00, v6  }
0x27: {  	v46 =	vand.u32 $0x7FFFFF, v45;
	v12 =	vadd.f32 v12, v14  }
0x28: {  	v14 =	vor.u32 $0x3F000000, v46;
	v9 =	vadd.f32 $-1.000000000e+00, v9;
	v7 =	vmul.f32 $7.037683580e-02, v6  }
0x29: {  	vm15 =	vlt.f32 v14, $7.071067690e-01  }
0x2a: {  	v15 =	vnsel vm15, $0x80000000, v14;
	v13 =	vmul.f32 $7.037683580e-02, v9;
	v7 =	vadd.f32 $-1.151461010e-01, v7  }
0x2b: {  	v12 =	vadd.f32 $-1.000000000e+00, v12;
	v14 =	vadd.f32 v14, v15  }
0x2c: {  	v13 =	vadd.f32 $-1.151461010e-01, v13;
	v7 =	vmul.f32 v7, v6  }
0x2d: {  	v16 =	vmul.f32 $7.037683580e-02, v12;
	v14 =	vadd.f32 $-1.000000000e+00, v14  }
0x2e: {  	v13 =	vmul.f32 v13, v9;
	v7 =	vadd.f32 $1.167699840e-01, v7  }
0x2f: {  	v47 =	vadd.f32 $-1.151461010e-01, v16;
	v48 =	vmul.f32 $7.037683580e-02, v14  }
0x30: {  	v13 =	vadd.f32 $1.167699840e-01, v13;
	v7 =	vmul.f32 v7, v6  }
0x31: {  	v15 =	vmul.f32 v47, v12;
	v16 =	vadd.f32 $-1.151461010e-01, v48  }
0x32: {  	v5 =	vshra.s32 v5, $0x17;
	v13 =	vmul.f32 v13, v9;
	v7 =	vadd.f32 $-1.242014100e-01, v7  }
0x33: {  	v8 =	vshra.s32 v8, $0x17;
	v15 =	vadd.f32 $1.167699840e-01, v15;
	v16 =	vmul.f32 v16, v14  }
0x34: {  	v10 =	vshra.s32 v10, $0x17;
	v13 =	vadd.f32 $-1.242014100e-01, v13;
	v7 =	vmul.f32 v7, v6  }
0x35: {  	v17 =	vsel vm2, $0xFFFFFFFF, v3;
	v15 =	vmul.f32 v15, v12;
	v16 =	vadd.f32 $1.167699840e-01, v16  }
0x36: {  	v49 =	vsel vm1, $0xFFFFFFFF, v3;
	v13 =	vmul.f32 v13, v9;
	v7 =	vadd.f32 $1.424932330e-01, v7  }
0x37: {  	v20 =	vsel vm0, $0xFFFFFFFF, v3;
	v15 =	vadd.f32 $-1.242014100e-01, v15;
	v16 =	vmul.f32 v16, v14  }
0x38: {  	v5 =	vadd.s32 v17, v5;
	v13 =	vadd.f32 $1.424932330e-01, v13;
	v7 =	vmul.f32 v7, v6  }
0x39: {  	v8 =	vadd.s32 v49, v8;
	v15 =	vmul.f32 v15, v12;
	v16 =	vadd.f32 $-1.242014100e-01, v16  }
0x3a: {  	v10 =	vadd.s32 v20, v10;
	v13 =	vmul.f32 v13, v9;
	v7 =	vadd.f32 $-1.666805740e-01, v7  }
0x3b: {  	v11 =	vshra.s32 v45, $0x17;
	v15 =	vadd.f32 $1.424932330e-01, v15;
	v16 =	vmul.f32 v16, v14  }
0x3c: {  	v5 =	vadd.s32 $0xFFFFFF82, v5;
	v13 =	vadd.f32 $-1.666805740e-01, v13;
	v7 =	vmul.f32 v7, v6  }
0x3d: {  	v8 =	vadd.s32 $0xFFFFFF82, v8;
	v15 =	vmul.f32 v15, v12;
	v16 =	vadd.f32 $1.424932330e-01, v16  }
0x3e: {  	v10 =	vadd.s32 $0xFFFFFF82, v10;
	v13 =	vmul.f32 v13, v9;
	v7 =	vadd.f32 $2.000071410e-01, v7  }
0x3f: {  	v5 =	vcvt.s32.f32 v5;
	v15 =	vadd.f32 $-1.666805740e-01, v15;
	v16 =	vmul.f32 v16, v14  }
0x40: {  	v8 =	vcvt.s32.f32 v8;
	v13 =	vadd.f32 $2.000071410e-01, v13;
	v7 =	vmul.f32 v7, v6  }
0x41: {  	v10 =	vcvt.s32.f32 v10;
	v15 =	vmul.f32 v15, v12;
	v16 =	vadd.f32 $-1.666805740e-01, v16  }
0x42: {  	v53 =	vsel vm15, $0xFFFFFFFF, v3;
	v13 =	vmul.f32 v13, v9;
	v7 =	vadd.f32 $-2.499999400e-01, v7  }
0x43: {  	v11 =	vadd.s32 v53, v11;
	v15 =	vadd.f32 $2.000071410e-01, v15;
	v16 =	vmul.f32 v16, v14  }
0x44: {  	v18 =	vmul.f32 v6, v6;
	v13 =	vadd.f32 $-2.499999400e-01, v13;
	v7 =	vmul.f32 v7, v6  }
0x45: {  	v19 =	vmul.f32 $2.121944420e-04, v5;
	v15 =	vmul.f32 v15, v12;
	v16 =	vadd.f32 $2.000071410e-01, v16  }
0x46: {  	v50 =	vmul.f32 v9, v9;
	v13 =	vmul.f32 v13, v9;
	v7 =	vadd.f32 $3.333333130e-01, v7  }
0x47: {  	v51 =	vmul.f32 $2.121944420e-04, v8;
	v15 =	vadd.f32 $-2.499999400e-01, v15;
	v16 =	vmul.f32 v16, v14  }
0x48: {  	v52 =	vmul.f32 v12, v12;
	v13 =	vadd.f32 $3.333333130e-01, v13;
	v7 =	vmul.f32 v7, v6  }
0x49: {  	v54 =	vmul.f32 $2.121944420e-04, v10;
	v15 =	vmul.f32 v15, v12;
	v16 =	vadd.f32 $-2.499999400e-01, v16  }
0x4a: {  	v11 =	vadd.s32 $0xFFFFFF82, v11;
	v13 =	vmul.f32 v13, v9;
	v7 =	vmul.f32 v7, v18  }
0x4b: {  	v11 =	vcvt.s32.f32 v11;
	v15 =	vadd.f32 $3.333333130e-01, v15;
	v16 =	vmul.f32 v16, v14  }
0x4c: {  	v18 =	vmul.f32 $5.000000000e-01, v18;
	v13 =	vmul.f32 v13, v50;
	v7 =	vsub.f32 v7, v19  }
0x4d: {  	v17 =	vmul.f32 $5.000000000e-01, v50;
	v15 =	vmul.f32 v15, v12;
	v16 =	vadd.f32 $3.333333130e-01, v16  }
0x4e: {  	v55 =	vmul.f32 v14, v14;
	v13 =	vsub.f32 v13, v51;
	v7 =	vsub.f32 v7, v18  }
0x4f: {  	v15 =	vmul.f32 v15, v52;
	v16 =	vmul.f32 v16, v14  }
0x50: {  	v56 =	vmul.f32 $5.000000000e-01, v52;
	v6 =	vadd.f32 v7, v6;
	v7 =	vsub.f32 v13, v17  }
0x51: {  	v57 =	vmul.f32 $2.121944420e-04, v11;
	v15 =	vsub.f32 v15, v54;
	v16 =	vmul.f32 v16, v55  }
0x52: {  	v5 =	vmul.f32 $6.933593750e-01, v5;
	v8 =	vmul.f32 $6.933593750e-01, v8;
	v7 =	vadd.f32 v7, v9  }
0x53: {  	v60 =	vmul.f32 $5.000000000e-01, v55;
	v58 =	vsub.f32 v15, v56;
	v59 =	vsub.f32 v16, v57  }
0x54: {  	v5 =	vadd.f32 v6, v5;
	v6 =	vadd.f32 v7, v8  }
0x55: {  	v62 =	vmul.f32 $6.933593750e-01, v10;
	v61 =	vsub.f32 v59, v60;
	v7 =	vadd.f32 v58, v12  }
0x56: {  	v5 =	vadd.f32 v6, v5  }
0x57: {  	v63 =	vmul.f32 $6.933593750e-01, v11;
	v6 =	vadd.f32 v7, v62;
	v7 =	vadd.f32 v61, v14;
	_ =	sdelay $0x1  }
0x58: {  	v5 =	vadd.f32 v6, v5;
	v6 =	vadd.f32 v7, v63;
	_ =	sdelay $0x1  }
0x59: {  	v5 =	vadd.f32 v6, v5;
	_ =	sdelay $0x1  }
0x5a: {  	v6 =	vperm.xlane v5, v0;
	_ =	sdelay $0x1  }
0x5b: {  	v5 =	vadd.f32 v5, v6;
	_ =	sdelay $0x1  }
0x5c: {  	v6 =	vperm.xlane v5, v1;
	_ =	sdelay $0x1  }
0x5d: {  	v5 =	vadd.f32 v5, v6;
	_ =	sdelay $0x1  }
0x5e: {  	v6 =	vperm.xlane v5, v2;
	_ =	sdelay $0x1  }
0x5f: {  	v5 =	vadd.f32 v5, v6;
	_ =	sdelay $0x1  }
0x60: {  	v6 =	vperm.xlane v5, v4;
	_ =	sdelay $0x1  }
0x61: {  	v5 =	vadd.f32 v5, v6;
	_ =	sdelay $0x1  }
0x62: {  	v5 =	vmul.f32 $-1.562500000e-02, v5;
	_ =	sdelay $0x1  }
0x63: {  	[tilespmem:$0x100] =	vst v5  }
0x64: {  	[spmem:s6] =	stream.linear.scatter [tilespmem:s13], [sflag:$0x3], $0x10, $0x38;
	[tilespmem:$0x310] =	vst v63  }
0x65: {  	_ =	swait.ge [sflag:s9], $0x10  }
0x66: {  	[sflag:s9] =	ssyncset.done $0x0  }
0x67: {  	[sflag:s9] =	ssyncadd.s32 $0xFFFFFFF0  }
0x68: {  	[bflag:$0x0] =	sbarrier.arrive $0xFFFF  }
0x69: {  	[tilespmem:s14], [sflag:$0x3] =	stream.linear.gather @!p0 [spmem:s2], $0x100, $0x38;
	[tilespmem:$0x310] =	vst v63  }
0x6a: {  	_ =	swait.ge @!p0 [sflag:s9], $0x100  }
0x6b: {  	v14 =	vld @!p0 [tilespmem:$0x1FFD0]  }
0x6c: {  	[sflag:s9] =	ssyncset.done @!p0 $0x0  }
0x6d: {  	[sflag:s9] =	ssyncadd.s32 @!p0 $0xFFFFFF00  }
0x6e: {  	v5 =	vld @!p0 [tilespmem:$0x180]  }
0x6f: {  	v6 =	vld @!p0 [tilespmem:$0x190]  }
0x70: {  	vm0 =	vnez.u8 @!p0 v14;
	v14 =	vld @!p0 [tilespmem:$0x1FFE0];
	_ =	sdelay $0x1  }
0x71: {  	v7 =	vld @!p0 [tilespmem:$0x1A0]  }
0x72: {  	v8 =	vld @!p0 [tilespmem:$0x1B0]  }
0x73: {  	v9 =	vld @!p0 [tilespmem:$0x1C0]  }
0x74: {  	v5 =	vsel @!p0 vm0, v5, v6;
	vm0 =	vnez.u8 @!p0 v14;
	v14 =	vld @!p0 [tilespmem:$0x1FFF0]  }
0x75: {  	v10 =	vld @!p0 [tilespmem:$0x1D0]  }
0x76: {  	v11 =	vld @!p0 [tilespmem:$0x1E0]  }
0x77: {  	v12 =	vld @!p0 [tilespmem:$0x1F0]  }
0x78: {  	v13 =	vld @!p0 [tilespmem:$0x200]  }
0x79: {  	v6 =	vld @!p0 [tilespmem:$0x210];
	v5 =	vsel @!p0 vm0, v5, v7;
	vm0 =	vnez.u8 @!p0 v14  }
0x7a: {  	v7 =	vld @!p0 [tilespmem:$0x220];
	v5 =	vsel @!p0 vm0, v5, v8  }
0x7b: {  	v8 =	vld @!p0 [tilespmem:$0x230];
	v5 =	vsel @!p0 vm3, v5, v9  }
0x7c: {  	v9 =	vld @!p0 [tilespmem:$0x240];
	v5 =	vsel @!p0 vm4, v5, v10  }
0x7d: {  	v10 =	vld @!p0 [tilespmem:$0x250];
	v5 =	vsel @!p0 vm5, v5, v11  }
0x7e: {  	v11 =	vld @!p0 [tilespmem:$0x260];
	v5 =	vsel @!p0 vm6, v5, v12  }
0x7f: {  	v12 =	vld @!p0 [tilespmem:$0x270];
	_ =	swait.ge @!p0 [sflag:s15], $0x10;
	v5 =	vsel @!p0 vm7, v5, v13  }
0x80: {  	[sflag:s15] =	ssyncset.done @!p0 $0x0;
	v5 =	vsel @!p0 vm8, v5, v6  }
0x81: {  	[sflag:s15] =	ssyncadd.s32 @!p0 $0xFFFFFFF0;
	v5 =	vsel @!p0 vm9, v5, v7  }
0x82: {  	v6 =	vld @!p0 [tilespmem:$0x280];
	v5 =	vsel @!p0 vm10, v5, v8  }
0x83: {  	v5 =	vsel @!p0 vm11, v5, v9  }
0x84: {  	v5 =	vsel @!p0 vm12, v5, v10  }
0x85: {  	v5 =	vsel @!p0 vm13, v5, v11  }
0x86: {  	v5 =	vsel @!p0 vm14, v5, v12  }
0x87: {  	s8 =	sadd.s32 $0xFFFFFFFF, s8;
	v5 =	vmul.f32 @!p0 v6, v5  }
0x88: {  	p1 =	sne.s32 s8, $0x0  }
.Ltmp0:
0x89: {  	[tilespmem:$0x100] =	vst @!p0 v5;
	(pc) =	sbr.rel @p1 .LBB2_1-.Ltmp0, $4  }
0x8a: {  	[hbm4b:s7+s3] =	stream.linear.scatter @!p0 [tilespmem:s13], [sflag:$0x3], $0x10, $0x38;
	[tilespmem:$0x310] =	vst v63  }
0x8b: {  	_ =	swait.ge @!p0 [sflag:s9], $0x10  }
0x8c: {  	[sflag:s9] =	ssyncset.done @!p0 $0x0  }
0x8d: {  	[sflag:s9] =	ssyncadd.s32 @!p0 $0xFFFFFFF0  }
0x8e: {  	_ =	sfence.sel $0x180000  }
0x8f: {  	[bflag:$0x0] =	sbarrier.arrive $0xFFFF  }
0x90: {  	_ =	strace $0x90000047  }
0x91: {  	s0 =	sadd.s32 @!p0 $0x100000, s1;
	[bflag:$0x2] =	sbarrier.arrive $0xFFFF  }
0x92: {  	[sflag:s0] =	ssyncadd.tile.s32 @!p0 $0x1;
	_ =	shalt  }
.Lfunc_end2:
_tile_overlayer_lowered:
.L_overlay_start_2:
0x93: {  	(tag) =	ssettag $0x2  }
0x94: {  	s0 =	rddreg [dreg:$0x0];
	s2 =	stileid.u32  }
0x95: {  	s1 =	rddreg [dreg:$0x1];
	p0 =	sne.s32 s2, $0x0  }
0x96: {  	s3 =	rddreg [dreg:$0x2];
	[bflag:$0x3] =	sbarrier.arrive $0xFFFF;
	s2 =	simm.s32 @!p0 $0x1C03  }
0x97: {  	[timem:s3], [sflag:s2] =	dma.local @!p0 [hbm:s0], s1  }
0x98: {  	s0 =	simm.s32 @!p0 $0x3  }
0x99: {  	_ =	swait.ge @!p0 [sflag:s0], s1  }
0x9a: {  	s1 =	ssub.s32 @!p0 $0x0, s1;
	[sflag:s0] =	ssyncset.done @!p0 $0x0  }
0x9b: {  	[sflag:s0] =	ssyncadd.s32 @!p0 s1  }
0x9c: {  	[bflag:$0x3] =	sbarrier.arrive $0xFFFF  }
0x9d: {  	_ =	shalt  }

</sc_bundles>
